<compile_context>
chip_gen: v7x
topology: tpu7x:2x2x1
jax: 0.10.2.dev20260603
libtpu: 0.0.44.dev20260713+nightly
codegen_flags: <defaults>
</compile_context>

<pallas_src>
import functools

import jax
import jax.numpy as jnp
from jax import lax
from jax.experimental import pallas as pl
from jax.experimental.pallas import tpu as pltpu
from jax.experimental.pallas import tpu_sc as plsc

D = 32
V = 1000000
B = 4096
T = 200
NW = 32
LANES = 128

_mesh = plsc.VectorSubcoreMesh(core_axis_name="c", subcore_axis_name="s")



@functools.partial(
    pl.kernel,
    mesh=_mesh,
    compiler_params=pltpu.CompilerParams(
        use_tc_tiling_on_sc=False, needs_layout_passes=False),
    out_type=jax.ShapeDtypeStruct((T, 4, NW, 8 * LANES), jnp.float32),
    scratch_types=[
        pltpu.VMEM((LANES * T,), jnp.int32),
        pltpu.VMEM((2, LANES), jnp.int32),
        pltpu.VMEM((2, LANES, D), jnp.float32),
        pltpu.VMEM((2, 4, 8 * LANES), jnp.float32),
        pltpu.SemaphoreType.DMA((2,)),
        pltpu.SemaphoreType.DMA((2,)),
    ],
)
def _gather(idx_hbm, tab_hbm, out_hbm, idx_v, idxc, rows, otile, sem_g, sem_o):
    wid = lax.axis_index("s") * 2 + lax.axis_index("c")
    iota = lax.iota(jnp.int32, 16)
    pltpu.sync_copy(idx_hbm.at[pl.ds(wid * (LANES * T), LANES * T)], idx_v)

    def build_idxc(t, bb):
        for g in range(LANES // 16):
            base = T * 16 * g + T * iota
            idxc[bb, pl.ds(16 * g, 16)] = 4 * plsc.load_gather(
                idx_v, [base + t])

    def gather_desc(bb):
        return pltpu.make_async_copy(
            tab_hbm.at[idxc.at[bb]], rows.at[bb], sem_g.at[bb])

    def out_desc(t, bb):
        return pltpu.make_async_copy(
            otile.at[bb], out_hbm.at[t, :, wid], sem_o.at[bb])

    def transpose_rows(bb):
        @plsc.parallel_loop(0, D, unroll=4)
        def _tp(d):
            s = lax.div(d, 8)
            base = lax.rem(d, 8) * LANES
            dsplat = lax.broadcast(d, (16,))
            for gl in range(LANES // 16):
                vals = plsc.load_gather(
                    rows.at[bb], [16 * gl + iota, dsplat])
                otile[bb, s, pl.ds(base + 16 * gl, 16)] = vals

    build_idxc(0, 0)
    gather_desc(0).start()

    @pl.loop(0, T, step=2)
    def _steps(to):
        for bb in range(2):
            t = to + bb

            @pl.when(t + 1 < T)
            def _prefetch():
                build_idxc(t + 1, 1 - bb)
                @pl.when(t >= 1)
                def _():
                    out_desc(t - 1, 1 - bb).wait()
                gather_desc(1 - bb).start()

            gather_desc(bb).wait()
            transpose_rows(bb)
            out_desc(t, bb).start()

    out_desc(T - 2, 0).wait()
    out_desc(T - 1, 1).wait()


def kernel(x, table):
    idx = x.reshape(-1)
    tab_lin = jnp.pad(table, ((0, 0), (0, LANES - D))).reshape(4 * V, D)
    out4 = _gather(idx, tab_lin)
    out5 = out4.reshape(T, 4, NW, 8, LANES)
    return out5.transpose(2, 4, 0, 1, 3).reshape(B, T, D)

# --- scband reference (transcript-rebuilt; emitter-appended) ---
"""Pipeline reference for scband-embedding-78606491452125 (READ-ONLY COPY).

The authoritative reference and input builder live on the scoring server;
editing this copy changes nothing except your own understanding.
"""

import jax, jax.numpy as jnp
import numpy as np

VOCAB = 1000000
EMBED_DIM = 32
PAD = 0


def setup_inputs(seed: int = 0) -> dict:
    key = jax.random.key(seed)
    k1, k2 = jax.random.split(key)
    x = jax.random.randint(k1, (4096, 200), 0, VOCAB, dtype=jnp.int64 if jax.config.jax_enable_x64 else jnp.int32).astype(jnp.int32)
    table = jax.random.normal(k2, (VOCAB, EMBED_DIM), dtype=jnp.float32)
    # nn.Embedding with padding_idx=0 initializes row 0 to zeros
    table = table.at[PAD].set(0.0)
    return {"x": x, "table": table}


def reference(x, table):
    # Faithful to nn.Embedding(vocab, dim, padding_idx=0):
    # lookup; padding rows contribute zero output (row 0 is zero) and
    # receive no gradient (handled by masking, which is a no-op in fwd
    # given the zero pad row).
    out = jnp.take(table, x, axis=0)
    mask = (x != PAD)[..., None].astype(out.dtype)
    return out * mask

if __name__ == "__main__":
    import jax
    _d = setup_inputs()
    print(jax.jit(kernel)(*tuple(_d.values())))

</pallas_src>

<mosaic_0001>
#map = affine_map<(d0, d1) -> (0)>
#map1 = affine_map<(d0, d1) -> (0, 0)>
#map2 = affine_map<(d0, d1) -> (0, 0, 0, 0)>
module attributes {stable_mosaic.version = 14 : i64} {
  func.func @_gather(%arg0: i32, %arg1: i32, %arg2: memref<819200xi32, #tpu.memory_space<hbm>>, %arg3: memref<4000000x32xf32, #tpu.memory_space<hbm>>, %arg4: memref<200x4x32x1024xf32, #tpu.memory_space<hbm>>, %arg5: memref<25600xi32, #tpu.memory_space<vmem>>, %arg6: memref<2x128xi32, #tpu.memory_space<vmem>>, %arg7: memref<2x128x32xf32, #tpu.memory_space<vmem>>, %arg8: memref<2x4x1024xf32, #tpu.memory_space<vmem>>, %arg9: memref<2x!tpu.dma_semaphore, #tpu.memory_space<semaphore_mem>>, %arg10: memref<2x!tpu.dma_semaphore, #tpu.memory_space<semaphore_mem>>) attributes {dimension_semantics = [#tpu.dimension_semantics<core_parallel>, #tpu.dimension_semantics<subcore_parallel>], iteration_bounds = array<i64: 2, 16>, scalar_prefetch = 0 : i64, scratch_operands = 6 : i64, tpu.core_type = #tpu.core_type<sc_vector_subcore>, window_params = [{transform_indices = #map}, {transform_indices = #map1}, {transform_indices = #map2}]} {
    %mul3A = arith.constant 2 : i32
    %mul3A_0 = arith.muli %arg1, %mul3A : i32
    %add3A = arith.addi %mul3A_0, %arg0 : i32
    %iota3A = tpu.iota {dimensions = array<i32: 0>} : vector<16xi32>
    %mul3A_1 = arith.constant 25600 : i32
    %mul3A_2 = arith.muli %add3A, %mul3A_1 : i32
    "tpu.region"() ({
      %run_scoped3A = tpu.sem_alloc : memref<!tpu.dma_semaphore, #tpu.memory_space<semaphore_mem>>
      %dma_start3A_196 = tpu.memref_slice %arg2[%mul3A_2] : memref<819200xi32, #tpu.memory_space<hbm>> -> memref<25600xi32, #tpu.memory_space<hbm>>
      %dma_start3A_197 = tpu.memref_slice %arg2[%mul3A_2] : memref<819200xi32, #tpu.memory_space<hbm>> -> memref<25600xi32, #tpu.memory_space<hbm>>
      tpu.enqueue_dma source(%dma_start3A_197 : memref<25600xi32, #tpu.memory_space<hbm>>) target(%arg5 : memref<25600xi32, #tpu.memory_space<vmem>>) target_semaphore(%run_scoped3A : memref<!tpu.dma_semaphore, #tpu.memory_space<semaphore_mem>>)
      %dma_wait3A_198 = tpu.memref_slice %arg2[%mul3A_2] : memref<819200xi32, #tpu.memory_space<hbm>> -> memref<25600xi32, #tpu.memory_space<hbm>>
      %dma_wait3A_199 = tpu.memref_slice %arg2[%mul3A_2] : memref<819200xi32, #tpu.memory_space<hbm>> -> memref<25600xi32, #tpu.memory_space<hbm>>
      tpu.wait_dma2 semaphore(%run_scoped3A : memref<!tpu.dma_semaphore, #tpu.memory_space<semaphore_mem>>) src(%dma_wait3A_199 : memref<25600xi32, #tpu.memory_space<hbm>>) dst(%arg5 : memref<25600xi32, #tpu.memory_space<vmem>>)
      tpu.yield
    }) : () -> ()
    %mul3A_3 = arith.constant 200 : i32
    %mul3A_4 = vector.broadcast %mul3A_3 : i32 to vector<16xi32>
    %mul3A_5 = arith.muli %mul3A_4, %iota3A : vector<16xi32>
    %add3A_6 = arith.constant 0 : i32
    %add3A_7 = vector.broadcast %add3A_6 : i32 to vector<16xi32>
    %add3A_8 = arith.addi %add3A_7, %mul3A_5 : vector<16xi32>
    %add3A_9 = arith.constant 0 : i32
    %add3A_10 = vector.broadcast %add3A_9 : i32 to vector<16xi32>
    %add3A_11 = arith.addi %add3A_8, %add3A_10 : vector<16xi32>
    %gather3A = tpu.vector_load_idx %arg5[%add3A_11] : memref<25600xi32, #tpu.memory_space<vmem>>[vector<16xi32>], vector<16xi32>,
    %mul3A_12 = arith.constant 4 : i32
    %mul3A_13 = vector.broadcast %mul3A_12 : i32 to vector<16xi32>
    %mul3A_14 = arith.muli %mul3A_13, %gather3A : vector<16xi32>
    %swap3A = arith.constant 0 : i32
    %swap3A_15 = arith.index_cast %swap3A : i32 to index
    %swap3A_16 = arith.constant 0 : index
    %swap3A_17 = tpu.vector_load %arg6[%swap3A_15, %swap3A_16] {strides = array<i32>} : memref<2x128xi32, #tpu.memory_space<vmem>>, vector<16xi32>,
    tpu.vector_store %arg6[%swap3A_15, %swap3A_16], %mul3A_14 {strides = array<i32>} : memref<2x128xi32, #tpu.memory_space<vmem>>, vector<16xi32>,
    %mul3A_18 = arith.constant 200 : i32
    %mul3A_19 = vector.broadcast %mul3A_18 : i32 to vector<16xi32>
    %mul3A_20 = arith.muli %mul3A_19, %iota3A : vector<16xi32>
    %add3A_21 = arith.constant 3200 : i32
    %add3A_22 = vector.broadcast %add3A_21 : i32 to vector<16xi32>
    %add3A_23 = arith.addi %add3A_22, %mul3A_20 : vector<16xi32>
    %add3A_24 = arith.constant 0 : i32
    %add3A_25 = vector.broadcast %add3A_24 : i32 to vector<16xi32>
    %add3A_26 = arith.addi %add3A_23, %add3A_25 : vector<16xi32>
    %gather3A_27 = tpu.vector_load_idx %arg5[%add3A_26] : memref<25600xi32, #tpu.memory_space<vmem>>[vector<16xi32>], vector<16xi32>,
    %mul3A_28 = arith.constant 4 : i32
    %mul3A_29 = vector.broadcast %mul3A_28 : i32 to vector<16xi32>
    %mul3A_30 = arith.muli %mul3A_29, %gather3A_27 : vector<16xi32>
    %swap3A_31 = arith.constant 0 : i32
    %swap3A_32 = arith.index_cast %swap3A_31 : i32 to index
    %swap3A_33 = arith.constant 16 : index
    %swap3A_34 = tpu.vector_load %arg6[%swap3A_32, %swap3A_33] {strides = array<i32>} : memref<2x128xi32, #tpu.memory_space<vmem>>, vector<16xi32>,
    tpu.vector_store %arg6[%swap3A_32, %swap3A_33], %mul3A_30 {strides = array<i32>} : memref<2x128xi32, #tpu.memory_space<vmem>>, vector<16xi32>,
    %mul3A_35 = arith.constant 200 : i32
    %mul3A_36 = vector.broadcast %mul3A_35 : i32 to vector<16xi32>
    %mul3A_37 = arith.muli %mul3A_36, %iota3A : vector<16xi32>
    %add3A_38 = arith.constant 6400 : i32
    %add3A_39 = vector.broadcast %add3A_38 : i32 to vector<16xi32>
    %add3A_40 = arith.addi %add3A_39, %mul3A_37 : vector<16xi32>
    %add3A_41 = arith.constant 0 : i32
    %add3A_42 = vector.broadcast %add3A_41 : i32 to vector<16xi32>
    %add3A_43 = arith.addi %add3A_40, %add3A_42 : vector<16xi32>
    %gather3A_44 = tpu.vector_load_idx %arg5[%add3A_43] : memref<25600xi32, #tpu.memory_space<vmem>>[vector<16xi32>], vector<16xi32>,
    %mul3A_45 = arith.constant 4 : i32
    %mul3A_46 = vector.broadcast %mul3A_45 : i32 to vector<16xi32>
    %mul3A_47 = arith.muli %mul3A_46, %gather3A_44 : vector<16xi32>
    %swap3A_48 = arith.constant 0 : i32
    %swap3A_49 = arith.index_cast %swap3A_48 : i32 to index
    %swap3A_50 = arith.constant 32 : index
    %swap3A_51 = tpu.vector_load %arg6[%swap3A_49, %swap3A_50] {strides = array<i32>} : memref<2x128xi32, #tpu.memory_space<vmem>>, vector<16xi32>,
    tpu.vector_store %arg6[%swap3A_49, %swap3A_50], %mul3A_47 {strides = array<i32>} : memref<2x128xi32, #tpu.memory_space<vmem>>, vector<16xi32>,
    %mul3A_52 = arith.constant 200 : i32
    %mul3A_53 = vector.broadcast %mul3A_52 : i32 to vector<16xi32>
    %mul3A_54 = arith.muli %mul3A_53, %iota3A : vector<16xi32>
    %add3A_55 = arith.constant 9600 : i32
    %add3A_56 = vector.broadcast %add3A_55 : i32 to vector<16xi32>
    %add3A_57 = arith.addi %add3A_56, %mul3A_54 : vector<16xi32>
    %add3A_58 = arith.constant 0 : i32
    %add3A_59 = vector.broadcast %add3A_58 : i32 to vector<16xi32>
    %add3A_60 = arith.addi %add3A_57, %add3A_59 : vector<16xi32>
    %gather3A_61 = tpu.vector_load_idx %arg5[%add3A_60] : memref<25600xi32, #tpu.memory_space<vmem>>[vector<16xi32>], vector<16xi32>,
    %mul3A_62 = arith.constant 4 : i32
    %mul3A_63 = vector.broadcast %mul3A_62 : i32 to vector<16xi32>
    %mul3A_64 = arith.muli %mul3A_63, %gather3A_61 : vector<16xi32>
    %swap3A_65 = arith.constant 0 : i32
    %swap3A_66 = arith.index_cast %swap3A_65 : i32 to index
    %swap3A_67 = arith.constant 48 : index
    %swap3A_68 = tpu.vector_load %arg6[%swap3A_66, %swap3A_67] {strides = array<i32>} : memref<2x128xi32, #tpu.memory_space<vmem>>, vector<16xi32>,
    tpu.vector_store %arg6[%swap3A_66, %swap3A_67], %mul3A_64 {strides = array<i32>} : memref<2x128xi32, #tpu.memory_space<vmem>>, vector<16xi32>,
    %mul3A_69 = arith.constant 200 : i32
    %mul3A_70 = vector.broadcast %mul3A_69 : i32 to vector<16xi32>
    %mul3A_71 = arith.muli %mul3A_70, %iota3A : vector<16xi32>
    %add3A_72 = arith.constant 12800 : i32
    %add3A_73 = vector.broadcast %add3A_72 : i32 to vector<16xi32>
    %add3A_74 = arith.addi %add3A_73, %mul3A_71 : vector<16xi32>
    %add3A_75 = arith.constant 0 : i32
    %add3A_76 = vector.broadcast %add3A_75 : i32 to vector<16xi32>
    %add3A_77 = arith.addi %add3A_74, %add3A_76 : vector<16xi32>
    %gather3A_78 = tpu.vector_load_idx %arg5[%add3A_77] : memref<25600xi32, #tpu.memory_space<vmem>>[vector<16xi32>], vector<16xi32>,
    %mul3A_79 = arith.constant 4 : i32
    %mul3A_80 = vector.broadcast %mul3A_79 : i32 to vector<16xi32>
    %mul3A_81 = arith.muli %mul3A_80, %gather3A_78 : vector<16xi32>
    %swap3A_82 = arith.constant 0 : i32
    %swap3A_83 = arith.index_cast %swap3A_82 : i32 to index
    %swap3A_84 = arith.constant 64 : index
    %swap3A_85 = tpu.vector_load %arg6[%swap3A_83, %swap3A_84] {strides = array<i32>} : memref<2x128xi32, #tpu.memory_space<vmem>>, vector<16xi32>,
    tpu.vector_store %arg6[%swap3A_83, %swap3A_84], %mul3A_81 {strides = array<i32>} : memref<2x128xi32, #tpu.memory_space<vmem>>, vector<16xi32>,
    %mul3A_86 = arith.constant 200 : i32
    %mul3A_87 = vector.broadcast %mul3A_86 : i32 to vector<16xi32>
    %mul3A_88 = arith.muli %mul3A_87, %iota3A : vector<16xi32>
    %add3A_89 = arith.constant 16000 : i32
    %add3A_90 = vector.broadcast %add3A_89 : i32 to vector<16xi32>
    %add3A_91 = arith.addi %add3A_90, %mul3A_88 : vector<16xi32>
    %add3A_92 = arith.constant 0 : i32
    %add3A_93 = vector.broadcast %add3A_92 : i32 to vector<16xi32>
    %add3A_94 = arith.addi %add3A_91, %add3A_93 : vector<16xi32>
    %gather3A_95 = tpu.vector_load_idx %arg5[%add3A_94] : memref<25600xi32, #tpu.memory_space<vmem>>[vector<16xi32>], vector<16xi32>,
    %mul3A_96 = arith.constant 4 : i32
    %mul3A_97 = vector.broadcast %mul3A_96 : i32 to vector<16xi32>
    %mul3A_98 = arith.muli %mul3A_97, %gather3A_95 : vector<16xi32>
    %swap3A_99 = arith.constant 0 : i32
    %swap3A_100 = arith.index_cast %swap3A_99 : i32 to index
    %swap3A_101 = arith.constant 80 : index
    %swap3A_102 = tpu.vector_load %arg6[%swap3A_100, %swap3A_101] {strides = array<i32>} : memref<2x128xi32, #tpu.memory_space<vmem>>, vector<16xi32>,
    tpu.vector_store %arg6[%swap3A_100, %swap3A_101], %mul3A_98 {strides = array<i32>} : memref<2x128xi32, #tpu.memory_space<vmem>>, vector<16xi32>,
    %mul3A_103 = arith.constant 200 : i32
    %mul3A_104 = vector.broadcast %mul3A_103 : i32 to vector<16xi32>
    %mul3A_105 = arith.muli %mul3A_104, %iota3A : vector<16xi32>
    %add3A_106 = arith.constant 19200 : i32
    %add3A_107 = vector.broadcast %add3A_106 : i32 to vector<16xi32>
    %add3A_108 = arith.addi %add3A_107, %mul3A_105 : vector<16xi32>
    %add3A_109 = arith.constant 0 : i32
    %add3A_110 = vector.broadcast %add3A_109 : i32 to vector<16xi32>
    %add3A_111 = arith.addi %add3A_108, %add3A_110 : vector<16xi32>
    %gather3A_112 = tpu.vector_load_idx %arg5[%add3A_111] : memref<25600xi32, #tpu.memory_space<vmem>>[vector<16xi32>], vector<16xi32>,
    %mul3A_113 = arith.constant 4 : i32
    %mul3A_114 = vector.broadcast %mul3A_113 : i32 to vector<16xi32>
    %mul3A_115 = arith.muli %mul3A_114, %gather3A_112 : vector<16xi32>
    %swap3A_116 = arith.constant 0 : i32
    %swap3A_117 = arith.index_cast %swap3A_116 : i32 to index
    %swap3A_118 = arith.constant 96 : index
    %swap3A_119 = tpu.vector_load %arg6[%swap3A_117, %swap3A_118] {strides = array<i32>} : memref<2x128xi32, #tpu.memory_space<vmem>>, vector<16xi32>,
    tpu.vector_store %arg6[%swap3A_117, %swap3A_118], %mul3A_115 {strides = array<i32>} : memref<2x128xi32, #tpu.memory_space<vmem>>, vector<16xi32>,
    %mul3A_120 = arith.constant 200 : i32
    %mul3A_121 = vector.broadcast %mul3A_120 : i32 to vector<16xi32>
    %mul3A_122 = arith.muli %mul3A_121, %iota3A : vector<16xi32>
    %add3A_123 = arith.constant 22400 : i32
    %add3A_124 = vector.broadcast %add3A_123 : i32 to vector<16xi32>
    %add3A_125 = arith.addi %add3A_124, %mul3A_122 : vector<16xi32>
    %add3A_126 = arith.constant 0 : i32
    %add3A_127 = vector.broadcast %add3A_126 : i32 to vector<16xi32>
    %add3A_128 = arith.addi %add3A_125, %add3A_127 : vector<16xi32>
    %gather3A_129 = tpu.vector_load_idx %arg5[%add3A_128] : memref<25600xi32, #tpu.memory_space<vmem>>[vector<16xi32>], vector<16xi32>,
    %mul3A_130 = arith.constant 4 : i32
    %mul3A_131 = vector.broadcast %mul3A_130 : i32 to vector<16xi32>
    %mul3A_132 = arith.muli %mul3A_131, %gather3A_129 : vector<16xi32>
    %swap3A_133 = arith.constant 0 : i32
    %swap3A_134 = arith.index_cast %swap3A_133 : i32 to index
    %swap3A_135 = arith.constant 112 : index
    %swap3A_136 = tpu.vector_load %arg6[%swap3A_134, %swap3A_135] {strides = array<i32>} : memref<2x128xi32, #tpu.memory_space<vmem>>, vector<16xi32>,
    tpu.vector_store %arg6[%swap3A_134, %swap3A_135], %mul3A_132 {strides = array<i32>} : memref<2x128xi32, #tpu.memory_space<vmem>>, vector<16xi32>,
    %dma_start3A = arith.constant 0 : i32
    %dma_start3A_137 = arith.constant 0 : i32
    %dma_start3A_138 = arith.constant 0 : i32
    %dma_start3A_139 = arith.constant 0 : i32
    %dma_start3A_140 = arith.constant 0 : i32
    %dma_start3A_141 = tpu.memref_slice %arg7[%dma_start3A_137, %dma_start3A_139, %dma_start3A_140] : memref<2x128x32xf32, #tpu.memory_space<vmem>> -> memref<1x128x32xf32, #tpu.memory_space<vmem>>
    %dma_start3A_142 = tpu.memref_squeeze %dma_start3A_141 : memref<1x128x32xf32, #tpu.memory_space<vmem>> -> memref<128x32xf32, #tpu.memory_space<vmem>>
    %dma_start3A_143 = arith.constant 0 : i32
    %dma_start3A_144 = tpu.memref_slice %arg6[%dma_start3A, %dma_start3A_143] : memref<2x128xi32, #tpu.memory_space<vmem>> -> memref<1x128xi32, #tpu.memory_space<vmem>>
    %dma_start3A_145 = tpu.memref_squeeze %dma_start3A_144 : memref<1x128xi32, #tpu.memory_space<vmem>> -> memref<128xi32, #tpu.memory_space<vmem>>
    %dma_start3A_146 = arith.constant 0 : i32
    %dma_start3A_147 = arith.constant 0 : i32
    %dma_start3A_148 = tpu.memref_slice %arg3[%dma_start3A_146, %dma_start3A_147] : memref<4000000x32xf32, #tpu.memory_space<hbm>> -> memref<4000000x32xf32, #tpu.memory_space<hbm>>
    %dma_start3A_149 = tpu.memref_slice %arg9[%dma_start3A_138] : memref<2x!tpu.dma_semaphore, #tpu.memory_space<semaphore_mem>> -> memref<1x!tpu.dma_semaphore, #tpu.memory_space<semaphore_mem>>
    %dma_start3A_150 = tpu.memref_squeeze %dma_start3A_149 : memref<1x!tpu.dma_semaphore, #tpu.memory_space<semaphore_mem>> -> memref<!tpu.dma_semaphore, #tpu.memory_space<semaphore_mem>>
    tpu.enqueue_indirect_dma source(%dma_start3A_148 : memref<4000000x32xf32, #tpu.memory_space<hbm>>) target(%dma_start3A_142 : memref<128x32xf32, #tpu.memory_space<vmem>>) offsets(%dma_start3A_145 : memref<128xi32, #tpu.memory_space<vmem>>) semaphore(%dma_start3A_150 : memref<!tpu.dma_semaphore, #tpu.memory_space<semaphore_mem>>)
    %scan3A = arith.constant 0 : i32
    %scan3A_151 = arith.constant 100 : i32
    %scan3A_152 = arith.addi %scan3A, %scan3A_151 : i32
    %scan3A_153 = arith.constant 1 : i32
    scf.for %scan3A_196 = %scan3A to %scan3A_152 step %scan3A_153  : i32 {
      %mul3A_197 = arith.constant 2 : i32
      %mul3A_198 = arith.muli %scan3A_196, %mul3A_197 : i32
      %add3A_199 = arith.constant 0 : i32
      %add3A_200 = arith.addi %add3A_199, %mul3A_198 : i32
      %add3A_201 = arith.constant 0 : i32
      %add3A_202 = arith.addi %add3A_200, %add3A_201 : i32
      %add3A_203 = arith.constant 1 : i32
      %add3A_204 = arith.addi %add3A_202, %add3A_203 : i32
      %lt3A = arith.constant 200 : i32
      %lt3A_205 = arith.cmpi slt, %add3A_204, %lt3A : i32
      %convert_element_type3A = arith.extui %lt3A_205 : i1 to i32
      %cond3A = arith.constant 0 : i32
      %cond3A_206 = arith.cmpi ne, %convert_element_type3A, %cond3A : i32
      scf.if %cond3A_206 {
        %add3A_291 = arith.constant 1 : i32
        %add3A_292 = arith.addi %add3A_202, %add3A_291 : i32
        %mul3A_293 = arith.constant 200 : i32
        %mul3A_294 = vector.broadcast %mul3A_293 : i32 to vector<16xi32>
        %mul3A_295 = arith.muli %mul3A_294, %iota3A : vector<16xi32>
        %add3A_296 = arith.constant 0 : i32
        %add3A_297 = vector.broadcast %add3A_296 : i32 to vector<16xi32>
        %add3A_298 = arith.addi %add3A_297, %mul3A_295 : vector<16xi32>
        %add3A_299 = vector.broadcast %add3A_292 : i32 to vector<16xi32>
        %add3A_300 = arith.addi %add3A_298, %add3A_299 : vector<16xi32>
        %gather3A_301 = tpu.vector_load_idx %arg5[%add3A_300] : memref<25600xi32, #tpu.memory_space<vmem>>[vector<16xi32>], vector<16xi32>,
        %mul3A_302 = arith.constant 4 : i32
        %mul3A_303 = vector.broadcast %mul3A_302 : i32 to vector<16xi32>
        %mul3A_304 = arith.muli %mul3A_303, %gather3A_301 : vector<16xi32>
        %swap3A_305 = arith.constant 1 : i32
        %swap3A_306 = arith.index_cast %swap3A_305 : i32 to index
        %swap3A_307 = arith.constant 0 : index
        %swap3A_308 = tpu.vector_load %arg6[%swap3A_306, %swap3A_307] {strides = array<i32>} : memref<2x128xi32, #tpu.memory_space<vmem>>, vector<16xi32>,
        tpu.vector_store %arg6[%swap3A_306, %swap3A_307], %mul3A_304 {strides = array<i32>} : memref<2x128xi32, #tpu.memory_space<vmem>>, vector<16xi32>,
        %mul3A_309 = arith.constant 200 : i32
        %mul3A_310 = vector.broadcast %mul3A_309 : i32 to vector<16xi32>
        %mul3A_311 = arith.muli %mul3A_310, %iota3A : vector<16xi32>
        %add3A_312 = arith.constant 3200 : i32
        %add3A_313 = vector.broadcast %add3A_312 : i32 to vector<16xi32>
        %add3A_314 = arith.addi %add3A_313, %mul3A_311 : vector<16xi32>
        %add3A_315 = vector.broadcast %add3A_292 : i32 to vector<16xi32>
        %add3A_316 = arith.addi %add3A_314, %add3A_315 : vector<16xi32>
        %gather3A_317 = tpu.vector_load_idx %arg5[%add3A_316] : memref<25600xi32, #tpu.memory_space<vmem>>[vector<16xi32>], vector<16xi32>,
        %mul3A_318 = arith.constant 4 : i32
        %mul3A_319 = vector.broadcast %mul3A_318 : i32 to vector<16xi32>
        %mul3A_320 = arith.muli %mul3A_319, %gather3A_317 : vector<16xi32>
        %swap3A_321 = arith.constant 1 : i32
        %swap3A_322 = arith.index_cast %swap3A_321 : i32 to index
        %swap3A_323 = arith.constant 16 : index
        %swap3A_324 = tpu.vector_load %arg6[%swap3A_322, %swap3A_323] {strides = array<i32>} : memref<2x128xi32, #tpu.memory_space<vmem>>, vector<16xi32>,
        tpu.vector_store %arg6[%swap3A_322, %swap3A_323], %mul3A_320 {strides = array<i32>} : memref<2x128xi32, #tpu.memory_space<vmem>>, vector<16xi32>,
        %mul3A_325 = arith.constant 200 : i32
        %mul3A_326 = vector.broadcast %mul3A_325 : i32 to vector<16xi32>
        %mul3A_327 = arith.muli %mul3A_326, %iota3A : vector<16xi32>
        %add3A_328 = arith.constant 6400 : i32
        %add3A_329 = vector.broadcast %add3A_328 : i32 to vector<16xi32>
        %add3A_330 = arith.addi %add3A_329, %mul3A_327 : vector<16xi32>
        %add3A_331 = vector.broadcast %add3A_292 : i32 to vector<16xi32>
        %add3A_332 = arith.addi %add3A_330, %add3A_331 : vector<16xi32>
        %gather3A_333 = tpu.vector_load_idx %arg5[%add3A_332] : memref<25600xi32, #tpu.memory_space<vmem>>[vector<16xi32>], vector<16xi32>,
        %mul3A_334 = arith.constant 4 : i32
        %mul3A_335 = vector.broadcast %mul3A_334 : i32 to vector<16xi32>
        %mul3A_336 = arith.muli %mul3A_335, %gather3A_333 : vector<16xi32>
        %swap3A_337 = arith.constant 1 : i32
        %swap3A_338 = arith.index_cast %swap3A_337 : i32 to index
        %swap3A_339 = arith.constant 32 : index
        %swap3A_340 = tpu.vector_load %arg6[%swap3A_338, %swap3A_339] {strides = array<i32>} : memref<2x128xi32, #tpu.memory_space<vmem>>, vector<16xi32>,
        tpu.vector_store %arg6[%swap3A_338, %swap3A_339], %mul3A_336 {strides = array<i32>} : memref<2x128xi32, #tpu.memory_space<vmem>>, vector<16xi32>,
        %mul3A_341 = arith.constant 200 : i32
        %mul3A_342 = vector.broadcast %mul3A_341 : i32 to vector<16xi32>
        %mul3A_343 = arith.muli %mul3A_342, %iota3A : vector<16xi32>
        %add3A_344 = arith.constant 9600 : i32
        %add3A_345 = vector.broadcast %add3A_344 : i32 to vector<16xi32>
        %add3A_346 = arith.addi %add3A_345, %mul3A_343 : vector<16xi32>
        %add3A_347 = vector.broadcast %add3A_292 : i32 to vector<16xi32>
        %add3A_348 = arith.addi %add3A_346, %add3A_347 : vector<16xi32>
        %gather3A_349 = tpu.vector_load_idx %arg5[%add3A_348] : memref<25600xi32, #tpu.memory_space<vmem>>[vector<16xi32>], vector<16xi32>,
        %mul3A_350 = arith.constant 4 : i32
        %mul3A_351 = vector.broadcast %mul3A_350 : i32 to vector<16xi32>
        %mul3A_352 = arith.muli %mul3A_351, %gather3A_349 : vector<16xi32>
        %swap3A_353 = arith.constant 1 : i32
        %swap3A_354 = arith.index_cast %swap3A_353 : i32 to index
        %swap3A_355 = arith.constant 48 : index
        %swap3A_356 = tpu.vector_load %arg6[%swap3A_354, %swap3A_355] {strides = array<i32>} : memref<2x128xi32, #tpu.memory_space<vmem>>, vector<16xi32>,
        tpu.vector_store %arg6[%swap3A_354, %swap3A_355], %mul3A_352 {strides = array<i32>} : memref<2x128xi32, #tpu.memory_space<vmem>>, vector<16xi32>,
        %mul3A_357 = arith.constant 200 : i32
        %mul3A_358 = vector.broadcast %mul3A_357 : i32 to vector<16xi32>
        %mul3A_359 = arith.muli %mul3A_358, %iota3A : vector<16xi32>
        %add3A_360 = arith.constant 12800 : i32
        %add3A_361 = vector.broadcast %add3A_360 : i32 to vector<16xi32>
        %add3A_362 = arith.addi %add3A_361, %mul3A_359 : vector<16xi32>
        %add3A_363 = vector.broadcast %add3A_292 : i32 to vector<16xi32>
        %add3A_364 = arith.addi %add3A_362, %add3A_363 : vector<16xi32>
        %gather3A_365 = tpu.vector_load_idx %arg5[%add3A_364] : memref<25600xi32, #tpu.memory_space<vmem>>[vector<16xi32>], vector<16xi32>,
        %mul3A_366 = arith.constant 4 : i32
        %mul3A_367 = vector.broadcast %mul3A_366 : i32 to vector<16xi32>
        %mul3A_368 = arith.muli %mul3A_367, %gather3A_365 : vector<16xi32>
        %swap3A_369 = arith.constant 1 : i32
        %swap3A_370 = arith.index_cast %swap3A_369 : i32 to index
        %swap3A_371 = arith.constant 64 : index
        %swap3A_372 = tpu.vector_load %arg6[%swap3A_370, %swap3A_371] {strides = array<i32>} : memref<2x128xi32, #tpu.memory_space<vmem>>, vector<16xi32>,
        tpu.vector_store %arg6[%swap3A_370, %swap3A_371], %mul3A_368 {strides = array<i32>} : memref<2x128xi32, #tpu.memory_space<vmem>>, vector<16xi32>,
        %mul3A_373 = arith.constant 200 : i32
        %mul3A_374 = vector.broadcast %mul3A_373 : i32 to vector<16xi32>
        %mul3A_375 = arith.muli %mul3A_374, %iota3A : vector<16xi32>
        %add3A_376 = arith.constant 16000 : i32
        %add3A_377 = vector.broadcast %add3A_376 : i32 to vector<16xi32>
        %add3A_378 = arith.addi %add3A_377, %mul3A_375 : vector<16xi32>
        %add3A_379 = vector.broadcast %add3A_292 : i32 to vector<16xi32>
        %add3A_380 = arith.addi %add3A_378, %add3A_379 : vector<16xi32>
        %gather3A_381 = tpu.vector_load_idx %arg5[%add3A_380] : memref<25600xi32, #tpu.memory_space<vmem>>[vector<16xi32>], vector<16xi32>,
        %mul3A_382 = arith.constant 4 : i32
        %mul3A_383 = vector.broadcast %mul3A_382 : i32 to vector<16xi32>
        %mul3A_384 = arith.muli %mul3A_383, %gather3A_381 : vector<16xi32>
        %swap3A_385 = arith.constant 1 : i32
        %swap3A_386 = arith.index_cast %swap3A_385 : i32 to index
        %swap3A_387 = arith.constant 80 : index
        %swap3A_388 = tpu.vector_load %arg6[%swap3A_386, %swap3A_387] {strides = array<i32>} : memref<2x128xi32, #tpu.memory_space<vmem>>, vector<16xi32>,
        tpu.vector_store %arg6[%swap3A_386, %swap3A_387], %mul3A_384 {strides = array<i32>} : memref<2x128xi32, #tpu.memory_space<vmem>>, vector<16xi32>,
        %mul3A_389 = arith.constant 200 : i32
        %mul3A_390 = vector.broadcast %mul3A_389 : i32 to vector<16xi32>
        %mul3A_391 = arith.muli %mul3A_390, %iota3A : vector<16xi32>
        %add3A_392 = arith.constant 19200 : i32
        %add3A_393 = vector.broadcast %add3A_392 : i32 to vector<16xi32>
        %add3A_394 = arith.addi %add3A_393, %mul3A_391 : vector<16xi32>
        %add3A_395 = vector.broadcast %add3A_292 : i32 to vector<16xi32>
        %add3A_396 = arith.addi %add3A_394, %add3A_395 : vector<16xi32>
        %gather3A_397 = tpu.vector_load_idx %arg5[%add3A_396] : memref<25600xi32, #tpu.memory_space<vmem>>[vector<16xi32>], vector<16xi32>,
        %mul3A_398 = arith.constant 4 : i32
        %mul3A_399 = vector.broadcast %mul3A_398 : i32 to vector<16xi32>
        %mul3A_400 = arith.muli %mul3A_399, %gather3A_397 : vector<16xi32>
        %swap3A_401 = arith.constant 1 : i32
        %swap3A_402 = arith.index_cast %swap3A_401 : i32 to index
        %swap3A_403 = arith.constant 96 : index
        %swap3A_404 = tpu.vector_load %arg6[%swap3A_402, %swap3A_403] {strides = array<i32>} : memref<2x128xi32, #tpu.memory_space<vmem>>, vector<16xi32>,
        tpu.vector_store %arg6[%swap3A_402, %swap3A_403], %mul3A_400 {strides = array<i32>} : memref<2x128xi32, #tpu.memory_space<vmem>>, vector<16xi32>,
        %mul3A_405 = arith.constant 200 : i32
        %mul3A_406 = vector.broadcast %mul3A_405 : i32 to vector<16xi32>
        %mul3A_407 = arith.muli %mul3A_406, %iota3A : vector<16xi32>
        %add3A_408 = arith.constant 22400 : i32
        %add3A_409 = vector.broadcast %add3A_408 : i32 to vector<16xi32>
        %add3A_410 = arith.addi %add3A_409, %mul3A_407 : vector<16xi32>
        %add3A_411 = vector.broadcast %add3A_292 : i32 to vector<16xi32>
        %add3A_412 = arith.addi %add3A_410, %add3A_411 : vector<16xi32>
        %gather3A_413 = tpu.vector_load_idx %arg5[%add3A_412] : memref<25600xi32, #tpu.memory_space<vmem>>[vector<16xi32>], vector<16xi32>,
        %mul3A_414 = arith.constant 4 : i32
        %mul3A_415 = vector.broadcast %mul3A_414 : i32 to vector<16xi32>
        %mul3A_416 = arith.muli %mul3A_415, %gather3A_413 : vector<16xi32>
        %swap3A_417 = arith.constant 1 : i32
        %swap3A_418 = arith.index_cast %swap3A_417 : i32 to index
        %swap3A_419 = arith.constant 112 : index
        %swap3A_420 = tpu.vector_load %arg6[%swap3A_418, %swap3A_419] {strides = array<i32>} : memref<2x128xi32, #tpu.memory_space<vmem>>, vector<16xi32>,
        tpu.vector_store %arg6[%swap3A_418, %swap3A_419], %mul3A_416 {strides = array<i32>} : memref<2x128xi32, #tpu.memory_space<vmem>>, vector<16xi32>,
        %ge3A = arith.constant 1 : i32
        %ge3A_421 = arith.cmpi sge, %add3A_202, %ge3A : i32
        %convert_element_type3A_422 = arith.extui %ge3A_421 : i1 to i32
        %cond3A_423 = arith.constant 0 : i32
        %cond3A_424 = arith.cmpi ne, %convert_element_type3A_422, %cond3A_423 : i32
        scf.if %cond3A_424 {
          %sub3A = arith.constant 1 : i32
          %sub3A_440 = arith.subi %add3A_202, %sub3A : i32
          %dma_wait3A_441 = arith.constant 1 : i32
          %dma_wait3A_442 = arith.constant 1 : i32
          %dma_wait3A_443 = arith.constant 0 : i32
          %dma_wait3A_444 = arith.constant 0 : i32
          %dma_wait3A_445 = tpu.memref_slice %arg8[%dma_wait3A_441, %dma_wait3A_443, %dma_wait3A_444] : memref<2x4x1024xf32, #tpu.memory_space<vmem>> -> memref<1x4x1024xf32, #tpu.memory_space<vmem>>
          %dma_wait3A_446 = tpu.memref_squeeze %dma_wait3A_445 : memref<1x4x1024xf32, #tpu.memory_space<vmem>> -> memref<4x1024xf32, #tpu.memory_space<vmem>>
          %dma_wait3A_447 = arith.constant 0 : i32
          %dma_wait3A_448 = arith.constant 0 : i32
          %dma_wait3A_449 = tpu.memref_slice %arg4[%sub3A_440, %dma_wait3A_447, %add3A, %dma_wait3A_448] : memref<200x4x32x1024xf32, #tpu.memory_space<hbm>> -> memref<1x4x1x1024xf32, #tpu.memory_space<hbm>>
          %dma_wait3A_450 = tpu.memref_squeeze %dma_wait3A_449 : memref<1x4x1x1024xf32, #tpu.memory_space<hbm>> -> memref<4x1024xf32, #tpu.memory_space<hbm>>
          %dma_wait3A_451 = tpu.memref_slice %arg10[%dma_wait3A_442] : memref<2x!tpu.dma_semaphore, #tpu.memory_space<semaphore_mem>> -> memref<1x!tpu.dma_semaphore, #tpu.memory_space<semaphore_mem>>
          %dma_wait3A_452 = tpu.memref_squeeze %dma_wait3A_451 : memref<1x!tpu.dma_semaphore, #tpu.memory_space<semaphore_mem>> -> memref<!tpu.dma_semaphore, #tpu.memory_space<semaphore_mem>>
          %dma_wait3A_453 = arith.constant 0 : i32
          %dma_wait3A_454 = arith.constant 0 : i32
          %dma_wait3A_455 = tpu.memref_slice %arg4[%sub3A_440, %dma_wait3A_453, %add3A, %dma_wait3A_454] : memref<200x4x32x1024xf32, #tpu.memory_space<hbm>> -> memref<1x4x1x1024xf32, #tpu.memory_space<hbm>>
          %dma_wait3A_456 = tpu.memref_squeeze %dma_wait3A_455 : memref<1x4x1x1024xf32, #tpu.memory_space<hbm>> -> memref<4x1024xf32, #tpu.memory_space<hbm>>
          %dma_wait3A_457 = arith.constant 0 : i32
          %dma_wait3A_458 = arith.constant 0 : i32
          %dma_wait3A_459 = tpu.memref_slice %arg8[%dma_wait3A_441, %dma_wait3A_457, %dma_wait3A_458] : memref<2x4x1024xf32, #tpu.memory_space<vmem>> -> memref<1x4x1024xf32, #tpu.memory_space<vmem>>
          %dma_wait3A_460 = tpu.memref_squeeze %dma_wait3A_459 : memref<1x4x1024xf32, #tpu.memory_space<vmem>> -> memref<4x1024xf32, #tpu.memory_space<vmem>>
          tpu.wait_dma2 semaphore(%dma_wait3A_452 : memref<!tpu.dma_semaphore, #tpu.memory_space<semaphore_mem>>) src(%dma_wait3A_460 : memref<4x1024xf32, #tpu.memory_space<vmem>>) dst(%dma_wait3A_456 : memref<4x1024xf32, #tpu.memory_space<hbm>>)
        } else {
        }
        %dma_start3A_425 = arith.constant 1 : i32
        %dma_start3A_426 = arith.constant 1 : i32
        %dma_start3A_427 = arith.constant 1 : i32
        %dma_start3A_428 = arith.constant 0 : i32
        %dma_start3A_429 = arith.constant 0 : i32
        %dma_start3A_430 = tpu.memref_slice %arg7[%dma_start3A_426, %dma_start3A_428, %dma_start3A_429] : memref<2x128x32xf32, #tpu.memory_space<vmem>> -> memref<1x128x32xf32, #tpu.memory_space<vmem>>
        %dma_start3A_431 = tpu.memref_squeeze %dma_start3A_430 : memref<1x128x32xf32, #tpu.memory_space<vmem>> -> memref<128x32xf32, #tpu.memory_space<vmem>>
        %dma_start3A_432 = arith.constant 0 : i32
        %dma_start3A_433 = tpu.memref_slice %arg6[%dma_start3A_425, %dma_start3A_432] : memref<2x128xi32, #tpu.memory_space<vmem>> -> memref<1x128xi32, #tpu.memory_space<vmem>>
        %dma_start3A_434 = tpu.memref_squeeze %dma_start3A_433 : memref<1x128xi32, #tpu.memory_space<vmem>> -> memref<128xi32, #tpu.memory_space<vmem>>
        %dma_start3A_435 = arith.constant 0 : i32
        %dma_start3A_436 = arith.constant 0 : i32
        %dma_start3A_437 = tpu.memref_slice %arg3[%dma_start3A_435, %dma_start3A_436] : memref<4000000x32xf32, #tpu.memory_space<hbm>> -> memref<4000000x32xf32, #tpu.memory_space<hbm>>
        %dma_start3A_438 = tpu.memref_slice %arg9[%dma_start3A_427] : memref<2x!tpu.dma_semaphore, #tpu.memory_space<semaphore_mem>> -> memref<1x!tpu.dma_semaphore, #tpu.memory_space<semaphore_mem>>
        %dma_start3A_439 = tpu.memref_squeeze %dma_start3A_438 : memref<1x!tpu.dma_semaphore, #tpu.memory_space<semaphore_mem>> -> memref<!tpu.dma_semaphore, #tpu.memory_space<semaphore_mem>>
        tpu.enqueue_indirect_dma source(%dma_start3A_437 : memref<4000000x32xf32, #tpu.memory_space<hbm>>) target(%dma_start3A_431 : memref<128x32xf32, #tpu.memory_space<vmem>>) offsets(%dma_start3A_434 : memref<128xi32, #tpu.memory_space<vmem>>) semaphore(%dma_start3A_439 : memref<!tpu.dma_semaphore, #tpu.memory_space<semaphore_mem>>)
      } else {
      }
      %dma_wait3A_207 = arith.constant 0 : i32
      %dma_wait3A_208 = arith.constant 0 : i32
      %dma_wait3A_209 = arith.constant 0 : i32
      %dma_wait3A_210 = arith.constant 0 : i32
      %dma_wait3A_211 = arith.constant 0 : i32
      %dma_wait3A_212 = tpu.memref_slice %arg7[%dma_wait3A_208, %dma_wait3A_210, %dma_wait3A_211] : memref<2x128x32xf32, #tpu.memory_space<vmem>> -> memref<1x128x32xf32, #tpu.memory_space<vmem>>
      %dma_wait3A_213 = tpu.memref_squeeze %dma_wait3A_212 : memref<1x128x32xf32, #tpu.memory_space<vmem>> -> memref<128x32xf32, #tpu.memory_space<vmem>>
      %dma_wait3A_214 = arith.constant 0 : i32
      %dma_wait3A_215 = tpu.memref_slice %arg6[%dma_wait3A_207, %dma_wait3A_214] : memref<2x128xi32, #tpu.memory_space<vmem>> -> memref<1x128xi32, #tpu.memory_space<vmem>>
      %dma_wait3A_216 = tpu.memref_squeeze %dma_wait3A_215 : memref<1x128xi32, #tpu.memory_space<vmem>> -> memref<128xi32, #tpu.memory_space<vmem>>
      %dma_wait3A_217 = arith.constant 0 : i32
      %dma_wait3A_218 = arith.constant 0 : i32
      %dma_wait3A_219 = tpu.memref_slice %arg3[%dma_wait3A_217, %dma_wait3A_218] : memref<4000000x32xf32, #tpu.memory_space<hbm>> -> memref<4000000x32xf32, #tpu.memory_space<hbm>>
      %dma_wait3A_220 = tpu.memref_slice %arg9[%dma_wait3A_209] : memref<2x!tpu.dma_semaphore, #tpu.memory_space<semaphore_mem>> -> memref<1x!tpu.dma_semaphore, #tpu.memory_space<semaphore_mem>>
      %dma_wait3A_221 = tpu.memref_squeeze %dma_wait3A_220 : memref<1x!tpu.dma_semaphore, #tpu.memory_space<semaphore_mem>> -> memref<!tpu.dma_semaphore, #tpu.memory_space<semaphore_mem>>
      tpu.wait_indirect_dma semaphore(%dma_wait3A_221 : memref<!tpu.dma_semaphore, #tpu.memory_space<semaphore_mem>>) src(%dma_wait3A_219 : memref<4000000x32xf32, #tpu.memory_space<hbm>>) dst(%dma_wait3A_213 : memref<128x32xf32, #tpu.memory_space<vmem>>)
      %parallel_loop3A = arith.constant 0 : i32
      %parallel_loop3A_222 = arith.constant 32 : i32
      %parallel_loop3A_223 = arith.constant 1 : i32
      scf.for %parallel_loop3A_291 = %parallel_loop3A to %parallel_loop3A_222 step %parallel_loop3A_223  : i32 {
        %parallel_loop3A_292 = arith.constant 8 : i32
        %parallel_loop3A_293 = arith.divsi %parallel_loop3A_291, %parallel_loop3A_292 : i32
        %parallel_loop3A_294 = arith.constant 8 : i32
        %parallel_loop3A_295 = arith.remsi %parallel_loop3A_291, %parallel_loop3A_294 : i32
        %parallel_loop3A_296 = arith.constant 128 : i32
        %parallel_loop3A_297 = arith.muli %parallel_loop3A_295, %parallel_loop3A_296 : i32
        %parallel_loop3A_298 = vector.broadcast %parallel_loop3A_291 : i32 to vector<16xi32>
        %parallel_loop3A_299 = arith.constant 0 : i32
        %parallel_loop3A_300 = vector.broadcast %parallel_loop3A_299 : i32 to vector<16xi32>
        %parallel_loop3A_301 = arith.addi %parallel_loop3A_300, %iota3A : vector<16xi32>
        %parallel_loop3A_302 = arith.constant 0 : i32
        %parallel_loop3A_303 = arith.constant 0 : i32
        %parallel_loop3A_304 = arith.constant 0 : i32
        %parallel_loop3A_305 = tpu.memref_slice %arg7[%parallel_loop3A_302, %parallel_loop3A_303, %parallel_loop3A_304] : memref<2x128x32xf32, #tpu.memory_space<vmem>> -> memref<1x128x32xf32, #tpu.memory_space<vmem>>
        %parallel_loop3A_306 = tpu.memref_squeeze %parallel_loop3A_305 : memref<1x128x32xf32, #tpu.memory_space<vmem>> -> memref<128x32xf32, #tpu.memory_space<vmem>>
        %parallel_loop3A_307 = tpu.vector_load_idx %parallel_loop3A_306[%parallel_loop3A_301, %parallel_loop3A_298] : memref<128x32xf32, #tpu.memory_space<vmem>>[vector<16xi32>, vector<16xi32>], vector<16xf32>,
        %parallel_loop3A_308 = arith.constant 0 : i32
        %parallel_loop3A_309 = arith.addi %parallel_loop3A_297, %parallel_loop3A_308 : i32
        %parallel_loop3A_310 = arith.constant 0 : i32
        %parallel_loop3A_311 = arith.index_cast %parallel_loop3A_310 : i32 to index
        %parallel_loop3A_312 = arith.index_cast %parallel_loop3A_293 : i32 to index
        %parallel_loop3A_313 = arith.index_cast %parallel_loop3A_309 : i32 to index
        %parallel_loop3A_314 = tpu.vector_load %arg8[%parallel_loop3A_311, %parallel_loop3A_312, %parallel_loop3A_313] {strides = array<i32>} : memref<2x4x1024xf32, #tpu.memory_space<vmem>>, vector<16xf32>,
        tpu.vector_store %arg8[%parallel_loop3A_311, %parallel_loop3A_312, %parallel_loop3A_313], %parallel_loop3A_307 {strides = array<i32>} : memref<2x4x1024xf32, #tpu.memory_space<vmem>>, vector<16xf32>,
        %parallel_loop3A_315 = arith.constant 16 : i32
        %parallel_loop3A_316 = vector.broadcast %parallel_loop3A_315 : i32 to vector<16xi32>
        %parallel_loop3A_317 = arith.addi %parallel_loop3A_316, %iota3A : vector<16xi32>
        %parallel_loop3A_318 = arith.constant 0 : i32
        %parallel_loop3A_319 = arith.constant 0 : i32
        %parallel_loop3A_320 = arith.constant 0 : i32
        %parallel_loop3A_321 = tpu.memref_slice %arg7[%parallel_loop3A_318, %parallel_loop3A_319, %parallel_loop3A_320] : memref<2x128x32xf32, #tpu.memory_space<vmem>> -> memref<1x128x32xf32, #tpu.memory_space<vmem>>
        %parallel_loop3A_322 = tpu.memref_squeeze %parallel_loop3A_321 : memref<1x128x32xf32, #tpu.memory_space<vmem>> -> memref<128x32xf32, #tpu.memory_space<vmem>>
        %parallel_loop3A_323 = tpu.vector_load_idx %parallel_loop3A_322[%parallel_loop3A_317, %parallel_loop3A_298] : memref<128x32xf32, #tpu.memory_space<vmem>>[vector<16xi32>, vector<16xi32>], vector<16xf32>,
        %parallel_loop3A_324 = arith.constant 16 : i32
        %parallel_loop3A_325 = arith.addi %parallel_loop3A_297, %parallel_loop3A_324 : i32
        %parallel_loop3A_326 = arith.constant 0 : i32
        %parallel_loop3A_327 = arith.index_cast %parallel_loop3A_326 : i32 to index
        %parallel_loop3A_328 = arith.index_cast %parallel_loop3A_293 : i32 to index
        %parallel_loop3A_329 = arith.index_cast %parallel_loop3A_325 : i32 to index
        %parallel_loop3A_330 = tpu.vector_load %arg8[%parallel_loop3A_327, %parallel_loop3A_328, %parallel_loop3A_329] {strides = array<i32>} : memref<2x4x1024xf32, #tpu.memory_space<vmem>>, vector<16xf32>,
        tpu.vector_store %arg8[%parallel_loop3A_327, %parallel_loop3A_328, %parallel_loop3A_329], %parallel_loop3A_323 {strides = array<i32>} : memref<2x4x1024xf32, #tpu.memory_space<vmem>>, vector<16xf32>,
        %parallel_loop3A_331 = arith.constant 32 : i32
        %parallel_loop3A_332 = vector.broadcast %parallel_loop3A_331 : i32 to vector<16xi32>
        %parallel_loop3A_333 = arith.addi %parallel_loop3A_332, %iota3A : vector<16xi32>
        %parallel_loop3A_334 = arith.constant 0 : i32
        %parallel_loop3A_335 = arith.constant 0 : i32
        %parallel_loop3A_336 = arith.constant 0 : i32
        %parallel_loop3A_337 = tpu.memref_slice %arg7[%parallel_loop3A_334, %parallel_loop3A_335, %parallel_loop3A_336] : memref<2x128x32xf32, #tpu.memory_space<vmem>> -> memref<1x128x32xf32, #tpu.memory_space<vmem>>
        %parallel_loop3A_338 = tpu.memref_squeeze %parallel_loop3A_337 : memref<1x128x32xf32, #tpu.memory_space<vmem>> -> memref<128x32xf32, #tpu.memory_space<vmem>>
        %parallel_loop3A_339 = tpu.vector_load_idx %parallel_loop3A_338[%parallel_loop3A_333, %parallel_loop3A_298] : memref<128x32xf32, #tpu.memory_space<vmem>>[vector<16xi32>, vector<16xi32>], vector<16xf32>,
        %parallel_loop3A_340 = arith.constant 32 : i32
        %parallel_loop3A_341 = arith.addi %parallel_loop3A_297, %parallel_loop3A_340 : i32
        %parallel_loop3A_342 = arith.constant 0 : i32
        %parallel_loop3A_343 = arith.index_cast %parallel_loop3A_342 : i32 to index
        %parallel_loop3A_344 = arith.index_cast %parallel_loop3A_293 : i32 to index
        %parallel_loop3A_345 = arith.index_cast %parallel_loop3A_341 : i32 to index
        %parallel_loop3A_346 = tpu.vector_load %arg8[%parallel_loop3A_343, %parallel_loop3A_344, %parallel_loop3A_345] {strides = array<i32>} : memref<2x4x1024xf32, #tpu.memory_space<vmem>>, vector<16xf32>,
        tpu.vector_store %arg8[%parallel_loop3A_343, %parallel_loop3A_344, %parallel_loop3A_345], %parallel_loop3A_339 {strides = array<i32>} : memref<2x4x1024xf32, #tpu.memory_space<vmem>>, vector<16xf32>,
        %parallel_loop3A_347 = arith.constant 48 : i32
        %parallel_loop3A_348 = vector.broadcast %parallel_loop3A_347 : i32 to vector<16xi32>
        %parallel_loop3A_349 = arith.addi %parallel_loop3A_348, %iota3A : vector<16xi32>
        %parallel_loop3A_350 = arith.constant 0 : i32
        %parallel_loop3A_351 = arith.constant 0 : i32
        %parallel_loop3A_352 = arith.constant 0 : i32
        %parallel_loop3A_353 = tpu.memref_slice %arg7[%parallel_loop3A_350, %parallel_loop3A_351, %parallel_loop3A_352] : memref<2x128x32xf32, #tpu.memory_space<vmem>> -> memref<1x128x32xf32, #tpu.memory_space<vmem>>
        %parallel_loop3A_354 = tpu.memref_squeeze %parallel_loop3A_353 : memref<1x128x32xf32, #tpu.memory_space<vmem>> -> memref<128x32xf32, #tpu.memory_space<vmem>>
        %parallel_loop3A_355 = tpu.vector_load_idx %parallel_loop3A_354[%parallel_loop3A_349, %parallel_loop3A_298] : memref<128x32xf32, #tpu.memory_space<vmem>>[vector<16xi32>, vector<16xi32>], vector<16xf32>,
        %parallel_loop3A_356 = arith.constant 48 : i32
        %parallel_loop3A_357 = arith.addi %parallel_loop3A_297, %parallel_loop3A_356 : i32
        %parallel_loop3A_358 = arith.constant 0 : i32
        %parallel_loop3A_359 = arith.index_cast %parallel_loop3A_358 : i32 to index
        %parallel_loop3A_360 = arith.index_cast %parallel_loop3A_293 : i32 to index
        %parallel_loop3A_361 = arith.index_cast %parallel_loop3A_357 : i32 to index
        %parallel_loop3A_362 = tpu.vector_load %arg8[%parallel_loop3A_359, %parallel_loop3A_360, %parallel_loop3A_361] {strides = array<i32>} : memref<2x4x1024xf32, #tpu.memory_space<vmem>>, vector<16xf32>,
        tpu.vector_store %arg8[%parallel_loop3A_359, %parallel_loop3A_360, %parallel_loop3A_361], %parallel_loop3A_355 {strides = array<i32>} : memref<2x4x1024xf32, #tpu.memory_space<vmem>>, vector<16xf32>,
        %parallel_loop3A_363 = arith.constant 64 : i32
        %parallel_loop3A_364 = vector.broadcast %parallel_loop3A_363 : i32 to vector<16xi32>
        %parallel_loop3A_365 = arith.addi %parallel_loop3A_364, %iota3A : vector<16xi32>
        %parallel_loop3A_366 = arith.constant 0 : i32
        %parallel_loop3A_367 = arith.constant 0 : i32
        %parallel_loop3A_368 = arith.constant 0 : i32
        %parallel_loop3A_369 = tpu.memref_slice %arg7[%parallel_loop3A_366, %parallel_loop3A_367, %parallel_loop3A_368] : memref<2x128x32xf32, #tpu.memory_space<vmem>> -> memref<1x128x32xf32, #tpu.memory_space<vmem>>
        %parallel_loop3A_370 = tpu.memref_squeeze %parallel_loop3A_369 : memref<1x128x32xf32, #tpu.memory_space<vmem>> -> memref<128x32xf32, #tpu.memory_space<vmem>>
        %parallel_loop3A_371 = tpu.vector_load_idx %parallel_loop3A_370[%parallel_loop3A_365, %parallel_loop3A_298] : memref<128x32xf32, #tpu.memory_space<vmem>>[vector<16xi32>, vector<16xi32>], vector<16xf32>,
        %parallel_loop3A_372 = arith.constant 64 : i32
        %parallel_loop3A_373 = arith.addi %parallel_loop3A_297, %parallel_loop3A_372 : i32
        %parallel_loop3A_374 = arith.constant 0 : i32
        %parallel_loop3A_375 = arith.index_cast %parallel_loop3A_374 : i32 to index
        %parallel_loop3A_376 = arith.index_cast %parallel_loop3A_293 : i32 to index
        %parallel_loop3A_377 = arith.index_cast %parallel_loop3A_373 : i32 to index
        %parallel_loop3A_378 = tpu.vector_load %arg8[%parallel_loop3A_375, %parallel_loop3A_376, %parallel_loop3A_377] {strides = array<i32>} : memref<2x4x1024xf32, #tpu.memory_space<vmem>>, vector<16xf32>,
        tpu.vector_store %arg8[%parallel_loop3A_375, %parallel_loop3A_376, %parallel_loop3A_377], %parallel_loop3A_371 {strides = array<i32>} : memref<2x4x1024xf32, #tpu.memory_space<vmem>>, vector<16xf32>,
        %parallel_loop3A_379 = arith.constant 80 : i32
        %parallel_loop3A_380 = vector.broadcast %parallel_loop3A_379 : i32 to vector<16xi32>
        %parallel_loop3A_381 = arith.addi %parallel_loop3A_380, %iota3A : vector<16xi32>
        %parallel_loop3A_382 = arith.constant 0 : i32
        %parallel_loop3A_383 = arith.constant 0 : i32
        %parallel_loop3A_384 = arith.constant 0 : i32
        %parallel_loop3A_385 = tpu.memref_slice %arg7[%parallel_loop3A_382, %parallel_loop3A_383, %parallel_loop3A_384] : memref<2x128x32xf32, #tpu.memory_space<vmem>> -> memref<1x128x32xf32, #tpu.memory_space<vmem>>
        %parallel_loop3A_386 = tpu.memref_squeeze %parallel_loop3A_385 : memref<1x128x32xf32, #tpu.memory_space<vmem>> -> memref<128x32xf32, #tpu.memory_space<vmem>>
        %parallel_loop3A_387 = tpu.vector_load_idx %parallel_loop3A_386[%parallel_loop3A_381, %parallel_loop3A_298] : memref<128x32xf32, #tpu.memory_space<vmem>>[vector<16xi32>, vector<16xi32>], vector<16xf32>,
        %parallel_loop3A_388 = arith.constant 80 : i32
        %parallel_loop3A_389 = arith.addi %parallel_loop3A_297, %parallel_loop3A_388 : i32
        %parallel_loop3A_390 = arith.constant 0 : i32
        %parallel_loop3A_391 = arith.index_cast %parallel_loop3A_390 : i32 to index
        %parallel_loop3A_392 = arith.index_cast %parallel_loop3A_293 : i32 to index
        %parallel_loop3A_393 = arith.index_cast %parallel_loop3A_389 : i32 to index
        %parallel_loop3A_394 = tpu.vector_load %arg8[%parallel_loop3A_391, %parallel_loop3A_392, %parallel_loop3A_393] {strides = array<i32>} : memref<2x4x1024xf32, #tpu.memory_space<vmem>>, vector<16xf32>,
        tpu.vector_store %arg8[%parallel_loop3A_391, %parallel_loop3A_392, %parallel_loop3A_393], %parallel_loop3A_387 {strides = array<i32>} : memref<2x4x1024xf32, #tpu.memory_space<vmem>>, vector<16xf32>,
        %parallel_loop3A_395 = arith.constant 96 : i32
        %parallel_loop3A_396 = vector.broadcast %parallel_loop3A_395 : i32 to vector<16xi32>
        %parallel_loop3A_397 = arith.addi %parallel_loop3A_396, %iota3A : vector<16xi32>
        %parallel_loop3A_398 = arith.constant 0 : i32
        %parallel_loop3A_399 = arith.constant 0 : i32
        %parallel_loop3A_400 = arith.constant 0 : i32
        %parallel_loop3A_401 = tpu.memref_slice %arg7[%parallel_loop3A_398, %parallel_loop3A_399, %parallel_loop3A_400] : memref<2x128x32xf32, #tpu.memory_space<vmem>> -> memref<1x128x32xf32, #tpu.memory_space<vmem>>
        %parallel_loop3A_402 = tpu.memref_squeeze %parallel_loop3A_401 : memref<1x128x32xf32, #tpu.memory_space<vmem>> -> memref<128x32xf32, #tpu.memory_space<vmem>>
        %parallel_loop3A_403 = tpu.vector_load_idx %parallel_loop3A_402[%parallel_loop3A_397, %parallel_loop3A_298] : memref<128x32xf32, #tpu.memory_space<vmem>>[vector<16xi32>, vector<16xi32>], vector<16xf32>,
        %parallel_loop3A_404 = arith.constant 96 : i32
        %parallel_loop3A_405 = arith.addi %parallel_loop3A_297, %parallel_loop3A_404 : i32
        %parallel_loop3A_406 = arith.constant 0 : i32
        %parallel_loop3A_407 = arith.index_cast %parallel_loop3A_406 : i32 to index
        %parallel_loop3A_408 = arith.index_cast %parallel_loop3A_293 : i32 to index
        %parallel_loop3A_409 = arith.index_cast %parallel_loop3A_405 : i32 to index
        %parallel_loop3A_410 = tpu.vector_load %arg8[%parallel_loop3A_407, %parallel_loop3A_408, %parallel_loop3A_409] {strides = array<i32>} : memref<2x4x1024xf32, #tpu.memory_space<vmem>>, vector<16xf32>,
        tpu.vector_store %arg8[%parallel_loop3A_407, %parallel_loop3A_408, %parallel_loop3A_409], %parallel_loop3A_403 {strides = array<i32>} : memref<2x4x1024xf32, #tpu.memory_space<vmem>>, vector<16xf32>,
        %parallel_loop3A_411 = arith.constant 112 : i32
        %parallel_loop3A_412 = vector.broadcast %parallel_loop3A_411 : i32 to vector<16xi32>
        %parallel_loop3A_413 = arith.addi %parallel_loop3A_412, %iota3A : vector<16xi32>
        %parallel_loop3A_414 = arith.constant 0 : i32
        %parallel_loop3A_415 = arith.constant 0 : i32
        %parallel_loop3A_416 = arith.constant 0 : i32
        %parallel_loop3A_417 = tpu.memref_slice %arg7[%parallel_loop3A_414, %parallel_loop3A_415, %parallel_loop3A_416] : memref<2x128x32xf32, #tpu.memory_space<vmem>> -> memref<1x128x32xf32, #tpu.memory_space<vmem>>
        %parallel_loop3A_418 = tpu.memref_squeeze %parallel_loop3A_417 : memref<1x128x32xf32, #tpu.memory_space<vmem>> -> memref<128x32xf32, #tpu.memory_space<vmem>>
        %parallel_loop3A_419 = tpu.vector_load_idx %parallel_loop3A_418[%parallel_loop3A_413, %parallel_loop3A_298] : memref<128x32xf32, #tpu.memory_space<vmem>>[vector<16xi32>, vector<16xi32>], vector<16xf32>,
        %parallel_loop3A_420 = arith.constant 112 : i32
        %parallel_loop3A_421 = arith.addi %parallel_loop3A_297, %parallel_loop3A_420 : i32
        %parallel_loop3A_422 = arith.constant 0 : i32
        %parallel_loop3A_423 = arith.index_cast %parallel_loop3A_422 : i32 to index
        %parallel_loop3A_424 = arith.index_cast %parallel_loop3A_293 : i32 to index
        %parallel_loop3A_425 = arith.index_cast %parallel_loop3A_421 : i32 to index
        %parallel_loop3A_426 = tpu.vector_load %arg8[%parallel_loop3A_423, %parallel_loop3A_424, %parallel_loop3A_425] {strides = array<i32>} : memref<2x4x1024xf32, #tpu.memory_space<vmem>>, vector<16xf32>,
        tpu.vector_store %arg8[%parallel_loop3A_423, %parallel_loop3A_424, %parallel_loop3A_425], %parallel_loop3A_419 {strides = array<i32>} : memref<2x4x1024xf32, #tpu.memory_space<vmem>>, vector<16xf32>,
      } {sc.loop_unroll_factor = 4 : i64, sc.parallel_access}
      %dma_start3A_224 = arith.constant 0 : i32
      %dma_start3A_225 = arith.constant 0 : i32
      %dma_start3A_226 = arith.constant 0 : i32
      %dma_start3A_227 = arith.constant 0 : i32
      %dma_start3A_228 = tpu.memref_slice %arg8[%dma_start3A_224, %dma_start3A_226, %dma_start3A_227] : memref<2x4x1024xf32, #tpu.memory_space<vmem>> -> memref<1x4x1024xf32, #tpu.memory_space<vmem>>
      %dma_start3A_229 = tpu.memref_squeeze %dma_start3A_228 : memref<1x4x1024xf32, #tpu.memory_space<vmem>> -> memref<4x1024xf32, #tpu.memory_space<vmem>>
      %dma_start3A_230 = arith.constant 0 : i32
      %dma_start3A_231 = arith.constant 0 : i32
      %dma_start3A_232 = tpu.memref_slice %arg4[%add3A_202, %dma_start3A_230, %add3A, %dma_start3A_231] : memref<200x4x32x1024xf32, #tpu.memory_space<hbm>> -> memref<1x4x1x1024xf32, #tpu.memory_space<hbm>>
      %dma_start3A_233 = tpu.memref_squeeze %dma_start3A_232 : memref<1x4x1x1024xf32, #tpu.memory_space<hbm>> -> memref<4x1024xf32, #tpu.memory_space<hbm>>
      %dma_start3A_234 = tpu.memref_slice %arg10[%dma_start3A_225] : memref<2x!tpu.dma_semaphore, #tpu.memory_space<semaphore_mem>> -> memref<1x!tpu.dma_semaphore, #tpu.memory_space<semaphore_mem>>
      %dma_start3A_235 = tpu.memref_squeeze %dma_start3A_234 : memref<1x!tpu.dma_semaphore, #tpu.memory_space<semaphore_mem>> -> memref<!tpu.dma_semaphore, #tpu.memory_space<semaphore_mem>>
      %dma_start3A_236 = arith.constant 0 : i32
      %dma_start3A_237 = arith.constant 0 : i32
      %dma_start3A_238 = tpu.memref_slice %arg4[%add3A_202, %dma_start3A_236, %add3A, %dma_start3A_237] : memref<200x4x32x1024xf32, #tpu.memory_space<hbm>> -> memref<1x4x1x1024xf32, #tpu.memory_space<hbm>>
      %dma_start3A_239 = tpu.memref_squeeze %dma_start3A_238 : memref<1x4x1x1024xf32, #tpu.memory_space<hbm>> -> memref<4x1024xf32, #tpu.memory_space<hbm>>
      %dma_start3A_240 = arith.constant 0 : i32
      %dma_start3A_241 = arith.constant 0 : i32
      %dma_start3A_242 = tpu.memref_slice %arg8[%dma_start3A_224, %dma_start3A_240, %dma_start3A_241] : memref<2x4x1024xf32, #tpu.memory_space<vmem>> -> memref<1x4x1024xf32, #tpu.memory_space<vmem>>
      %dma_start3A_243 = tpu.memref_squeeze %dma_start3A_242 : memref<1x4x1024xf32, #tpu.memory_space<vmem>> -> memref<4x1024xf32, #tpu.memory_space<vmem>>
      tpu.enqueue_dma source(%dma_start3A_243 : memref<4x1024xf32, #tpu.memory_space<vmem>>) target(%dma_start3A_239 : memref<4x1024xf32, #tpu.memory_space<hbm>>) target_semaphore(%dma_start3A_235 : memref<!tpu.dma_semaphore, #tpu.memory_space<semaphore_mem>>)
      %add3A_244 = arith.constant 1 : i32
      %add3A_245 = arith.addi %add3A_200, %add3A_244 : i32
      %add3A_246 = arith.constant 1 : i32
      %add3A_247 = arith.addi %add3A_245, %add3A_246 : i32
      %lt3A_248 = arith.constant 200 : i32
      %lt3A_249 = arith.cmpi slt, %add3A_247, %lt3A_248 : i32
      %convert_element_type3A_250 = arith.extui %lt3A_249 : i1 to i32
      %cond3A_251 = arith.constant 0 : i32
      %cond3A_252 = arith.cmpi ne, %convert_element_type3A_250, %cond3A_251 : i32
      scf.if %cond3A_252 {
        %add3A_291 = arith.constant 1 : i32
        %add3A_292 = arith.addi %add3A_245, %add3A_291 : i32
        %mul3A_293 = arith.constant 200 : i32
        %mul3A_294 = vector.broadcast %mul3A_293 : i32 to vector<16xi32>
        %mul3A_295 = arith.muli %mul3A_294, %iota3A : vector<16xi32>
        %add3A_296 = arith.constant 0 : i32
        %add3A_297 = vector.broadcast %add3A_296 : i32 to vector<16xi32>
        %add3A_298 = arith.addi %add3A_297, %mul3A_295 : vector<16xi32>
        %add3A_299 = vector.broadcast %add3A_292 : i32 to vector<16xi32>
        %add3A_300 = arith.addi %add3A_298, %add3A_299 : vector<16xi32>
        %gather3A_301 = tpu.vector_load_idx %arg5[%add3A_300] : memref<25600xi32, #tpu.memory_space<vmem>>[vector<16xi32>], vector<16xi32>,
        %mul3A_302 = arith.constant 4 : i32
        %mul3A_303 = vector.broadcast %mul3A_302 : i32 to vector<16xi32>
        %mul3A_304 = arith.muli %mul3A_303, %gather3A_301 : vector<16xi32>
        %swap3A_305 = arith.constant 0 : i32
        %swap3A_306 = arith.index_cast %swap3A_305 : i32 to index
        %swap3A_307 = arith.constant 0 : index
        %swap3A_308 = tpu.vector_load %arg6[%swap3A_306, %swap3A_307] {strides = array<i32>} : memref<2x128xi32, #tpu.memory_space<vmem>>, vector<16xi32>,
        tpu.vector_store %arg6[%swap3A_306, %swap3A_307], %mul3A_304 {strides = array<i32>} : memref<2x128xi32, #tpu.memory_space<vmem>>, vector<16xi32>,
        %mul3A_309 = arith.constant 200 : i32
        %mul3A_310 = vector.broadcast %mul3A_309 : i32 to vector<16xi32>
        %mul3A_311 = arith.muli %mul3A_310, %iota3A : vector<16xi32>
        %add3A_312 = arith.constant 3200 : i32
        %add3A_313 = vector.broadcast %add3A_312 : i32 to vector<16xi32>
        %add3A_314 = arith.addi %add3A_313, %mul3A_311 : vector<16xi32>
        %add3A_315 = vector.broadcast %add3A_292 : i32 to vector<16xi32>
        %add3A_316 = arith.addi %add3A_314, %add3A_315 : vector<16xi32>
        %gather3A_317 = tpu.vector_load_idx %arg5[%add3A_316] : memref<25600xi32, #tpu.memory_space<vmem>>[vector<16xi32>], vector<16xi32>,
        %mul3A_318 = arith.constant 4 : i32
        %mul3A_319 = vector.broadcast %mul3A_318 : i32 to vector<16xi32>
        %mul3A_320 = arith.muli %mul3A_319, %gather3A_317 : vector<16xi32>
        %swap3A_321 = arith.constant 0 : i32
        %swap3A_322 = arith.index_cast %swap3A_321 : i32 to index
        %swap3A_323 = arith.constant 16 : index
        %swap3A_324 = tpu.vector_load %arg6[%swap3A_322, %swap3A_323] {strides = array<i32>} : memref<2x128xi32, #tpu.memory_space<vmem>>, vector<16xi32>,
        tpu.vector_store %arg6[%swap3A_322, %swap3A_323], %mul3A_320 {strides = array<i32>} : memref<2x128xi32, #tpu.memory_space<vmem>>, vector<16xi32>,
        %mul3A_325 = arith.constant 200 : i32
        %mul3A_326 = vector.broadcast %mul3A_325 : i32 to vector<16xi32>
        %mul3A_327 = arith.muli %mul3A_326, %iota3A : vector<16xi32>
        %add3A_328 = arith.constant 6400 : i32
        %add3A_329 = vector.broadcast %add3A_328 : i32 to vector<16xi32>
        %add3A_330 = arith.addi %add3A_329, %mul3A_327 : vector<16xi32>
        %add3A_331 = vector.broadcast %add3A_292 : i32 to vector<16xi32>
        %add3A_332 = arith.addi %add3A_330, %add3A_331 : vector<16xi32>
        %gather3A_333 = tpu.vector_load_idx %arg5[%add3A_332] : memref<25600xi32, #tpu.memory_space<vmem>>[vector<16xi32>], vector<16xi32>,
        %mul3A_334 = arith.constant 4 : i32
        %mul3A_335 = vector.broadcast %mul3A_334 : i32 to vector<16xi32>
        %mul3A_336 = arith.muli %mul3A_335, %gather3A_333 : vector<16xi32>
        %swap3A_337 = arith.constant 0 : i32
        %swap3A_338 = arith.index_cast %swap3A_337 : i32 to index
        %swap3A_339 = arith.constant 32 : index
        %swap3A_340 = tpu.vector_load %arg6[%swap3A_338, %swap3A_339] {strides = array<i32>} : memref<2x128xi32, #tpu.memory_space<vmem>>, vector<16xi32>,
        tpu.vector_store %arg6[%swap3A_338, %swap3A_339], %mul3A_336 {strides = array<i32>} : memref<2x128xi32, #tpu.memory_space<vmem>>, vector<16xi32>,
        %mul3A_341 = arith.constant 200 : i32
        %mul3A_342 = vector.broadcast %mul3A_341 : i32 to vector<16xi32>
        %mul3A_343 = arith.muli %mul3A_342, %iota3A : vector<16xi32>
        %add3A_344 = arith.constant 9600 : i32
        %add3A_345 = vector.broadcast %add3A_344 : i32 to vector<16xi32>
        %add3A_346 = arith.addi %add3A_345, %mul3A_343 : vector<16xi32>
        %add3A_347 = vector.broadcast %add3A_292 : i32 to vector<16xi32>
        %add3A_348 = arith.addi %add3A_346, %add3A_347 : vector<16xi32>
        %gather3A_349 = tpu.vector_load_idx %arg5[%add3A_348] : memref<25600xi32, #tpu.memory_space<vmem>>[vector<16xi32>], vector<16xi32>,
        %mul3A_350 = arith.constant 4 : i32
        %mul3A_351 = vector.broadcast %mul3A_350 : i32 to vector<16xi32>
        %mul3A_352 = arith.muli %mul3A_351, %gather3A_349 : vector<16xi32>
        %swap3A_353 = arith.constant 0 : i32
        %swap3A_354 = arith.index_cast %swap3A_353 : i32 to index
        %swap3A_355 = arith.constant 48 : index
        %swap3A_356 = tpu.vector_load %arg6[%swap3A_354, %swap3A_355] {strides = array<i32>} : memref<2x128xi32, #tpu.memory_space<vmem>>, vector<16xi32>,
        tpu.vector_store %arg6[%swap3A_354, %swap3A_355], %mul3A_352 {strides = array<i32>} : memref<2x128xi32, #tpu.memory_space<vmem>>, vector<16xi32>,
        %mul3A_357 = arith.constant 200 : i32
        %mul3A_358 = vector.broadcast %mul3A_357 : i32 to vector<16xi32>
        %mul3A_359 = arith.muli %mul3A_358, %iota3A : vector<16xi32>
        %add3A_360 = arith.constant 12800 : i32
        %add3A_361 = vector.broadcast %add3A_360 : i32 to vector<16xi32>
        %add3A_362 = arith.addi %add3A_361, %mul3A_359 : vector<16xi32>
        %add3A_363 = vector.broadcast %add3A_292 : i32 to vector<16xi32>
        %add3A_364 = arith.addi %add3A_362, %add3A_363 : vector<16xi32>
        %gather3A_365 = tpu.vector_load_idx %arg5[%add3A_364] : memref<25600xi32, #tpu.memory_space<vmem>>[vector<16xi32>], vector<16xi32>,
        %mul3A_366 = arith.constant 4 : i32
        %mul3A_367 = vector.broadcast %mul3A_366 : i32 to vector<16xi32>
        %mul3A_368 = arith.muli %mul3A_367, %gather3A_365 : vector<16xi32>
        %swap3A_369 = arith.constant 0 : i32
        %swap3A_370 = arith.index_cast %swap3A_369 : i32 to index
        %swap3A_371 = arith.constant 64 : index
        %swap3A_372 = tpu.vector_load %arg6[%swap3A_370, %swap3A_371] {strides = array<i32>} : memref<2x128xi32, #tpu.memory_space<vmem>>, vector<16xi32>,
        tpu.vector_store %arg6[%swap3A_370, %swap3A_371], %mul3A_368 {strides = array<i32>} : memref<2x128xi32, #tpu.memory_space<vmem>>, vector<16xi32>,
        %mul3A_373 = arith.constant 200 : i32
        %mul3A_374 = vector.broadcast %mul3A_373 : i32 to vector<16xi32>
        %mul3A_375 = arith.muli %mul3A_374, %iota3A : vector<16xi32>
        %add3A_376 = arith.constant 16000 : i32
        %add3A_377 = vector.broadcast %add3A_376 : i32 to vector<16xi32>
        %add3A_378 = arith.addi %add3A_377, %mul3A_375 : vector<16xi32>
        %add3A_379 = vector.broadcast %add3A_292 : i32 to vector<16xi32>
        %add3A_380 = arith.addi %add3A_378, %add3A_379 : vector<16xi32>
        %gather3A_381 = tpu.vector_load_idx %arg5[%add3A_380] : memref<25600xi32, #tpu.memory_space<vmem>>[vector<16xi32>], vector<16xi32>,
        %mul3A_382 = arith.constant 4 : i32
        %mul3A_383 = vector.broadcast %mul3A_382 : i32 to vector<16xi32>
        %mul3A_384 = arith.muli %mul3A_383, %gather3A_381 : vector<16xi32>
        %swap3A_385 = arith.constant 0 : i32
        %swap3A_386 = arith.index_cast %swap3A_385 : i32 to index
        %swap3A_387 = arith.constant 80 : index
        %swap3A_388 = tpu.vector_load %arg6[%swap3A_386, %swap3A_387] {strides = array<i32>} : memref<2x128xi32, #tpu.memory_space<vmem>>, vector<16xi32>,
        tpu.vector_store %arg6[%swap3A_386, %swap3A_387], %mul3A_384 {strides = array<i32>} : memref<2x128xi32, #tpu.memory_space<vmem>>, vector<16xi32>,
        %mul3A_389 = arith.constant 200 : i32
        %mul3A_390 = vector.broadcast %mul3A_389 : i32 to vector<16xi32>
        %mul3A_391 = arith.muli %mul3A_390, %iota3A : vector<16xi32>
        %add3A_392 = arith.constant 19200 : i32
        %add3A_393 = vector.broadcast %add3A_392 : i32 to vector<16xi32>
        %add3A_394 = arith.addi %add3A_393, %mul3A_391 : vector<16xi32>
        %add3A_395 = vector.broadcast %add3A_292 : i32 to vector<16xi32>
        %add3A_396 = arith.addi %add3A_394, %add3A_395 : vector<16xi32>
        %gather3A_397 = tpu.vector_load_idx %arg5[%add3A_396] : memref<25600xi32, #tpu.memory_space<vmem>>[vector<16xi32>], vector<16xi32>,
        %mul3A_398 = arith.constant 4 : i32
        %mul3A_399 = vector.broadcast %mul3A_398 : i32 to vector<16xi32>
        %mul3A_400 = arith.muli %mul3A_399, %gather3A_397 : vector<16xi32>
        %swap3A_401 = arith.constant 0 : i32
        %swap3A_402 = arith.index_cast %swap3A_401 : i32 to index
        %swap3A_403 = arith.constant 96 : index
        %swap3A_404 = tpu.vector_load %arg6[%swap3A_402, %swap3A_403] {strides = array<i32>} : memref<2x128xi32, #tpu.memory_space<vmem>>, vector<16xi32>,
        tpu.vector_store %arg6[%swap3A_402, %swap3A_403], %mul3A_400 {strides = array<i32>} : memref<2x128xi32, #tpu.memory_space<vmem>>, vector<16xi32>,
        %mul3A_405 = arith.constant 200 : i32
        %mul3A_406 = vector.broadcast %mul3A_405 : i32 to vector<16xi32>
        %mul3A_407 = arith.muli %mul3A_406, %iota3A : vector<16xi32>
        %add3A_408 = arith.constant 22400 : i32
        %add3A_409 = vector.broadcast %add3A_408 : i32 to vector<16xi32>
        %add3A_410 = arith.addi %add3A_409, %mul3A_407 : vector<16xi32>
        %add3A_411 = vector.broadcast %add3A_292 : i32 to vector<16xi32>
        %add3A_412 = arith.addi %add3A_410, %add3A_411 : vector<16xi32>
        %gather3A_413 = tpu.vector_load_idx %arg5[%add3A_412] : memref<25600xi32, #tpu.memory_space<vmem>>[vector<16xi32>], vector<16xi32>,
        %mul3A_414 = arith.constant 4 : i32
        %mul3A_415 = vector.broadcast %mul3A_414 : i32 to vector<16xi32>
        %mul3A_416 = arith.muli %mul3A_415, %gather3A_413 : vector<16xi32>
        %swap3A_417 = arith.constant 0 : i32
        %swap3A_418 = arith.index_cast %swap3A_417 : i32 to index
        %swap3A_419 = arith.constant 112 : index
        %swap3A_420 = tpu.vector_load %arg6[%swap3A_418, %swap3A_419] {strides = array<i32>} : memref<2x128xi32, #tpu.memory_space<vmem>>, vector<16xi32>,
        tpu.vector_store %arg6[%swap3A_418, %swap3A_419], %mul3A_416 {strides = array<i32>} : memref<2x128xi32, #tpu.memory_space<vmem>>, vector<16xi32>,
        %ge3A = arith.constant 1 : i32
        %ge3A_421 = arith.cmpi sge, %add3A_245, %ge3A : i32
        %convert_element_type3A_422 = arith.extui %ge3A_421 : i1 to i32
        %cond3A_423 = arith.constant 0 : i32
        %cond3A_424 = arith.cmpi ne, %convert_element_type3A_422, %cond3A_423 : i32
        scf.if %cond3A_424 {
          %sub3A = arith.constant 1 : i32
          %sub3A_440 = arith.subi %add3A_245, %sub3A : i32
          %dma_wait3A_441 = arith.constant 0 : i32
          %dma_wait3A_442 = arith.constant 0 : i32
          %dma_wait3A_443 = arith.constant 0 : i32
          %dma_wait3A_444 = arith.constant 0 : i32
          %dma_wait3A_445 = tpu.memref_slice %arg8[%dma_wait3A_441, %dma_wait3A_443, %dma_wait3A_444] : memref<2x4x1024xf32, #tpu.memory_space<vmem>> -> memref<1x4x1024xf32, #tpu.memory_space<vmem>>
          %dma_wait3A_446 = tpu.memref_squeeze %dma_wait3A_445 : memref<1x4x1024xf32, #tpu.memory_space<vmem>> -> memref<4x1024xf32, #tpu.memory_space<vmem>>
          %dma_wait3A_447 = arith.constant 0 : i32
          %dma_wait3A_448 = arith.constant 0 : i32
          %dma_wait3A_449 = tpu.memref_slice %arg4[%sub3A_440, %dma_wait3A_447, %add3A, %dma_wait3A_448] : memref<200x4x32x1024xf32, #tpu.memory_space<hbm>> -> memref<1x4x1x1024xf32, #tpu.memory_space<hbm>>
          %dma_wait3A_450 = tpu.memref_squeeze %dma_wait3A_449 : memref<1x4x1x1024xf32, #tpu.memory_space<hbm>> -> memref<4x1024xf32, #tpu.memory_space<hbm>>
          %dma_wait3A_451 = tpu.memref_slice %arg10[%dma_wait3A_442] : memref<2x!tpu.dma_semaphore, #tpu.memory_space<semaphore_mem>> -> memref<1x!tpu.dma_semaphore, #tpu.memory_space<semaphore_mem>>
          %dma_wait3A_452 = tpu.memref_squeeze %dma_wait3A_451 : memref<1x!tpu.dma_semaphore, #tpu.memory_space<semaphore_mem>> -> memref<!tpu.dma_semaphore, #tpu.memory_space<semaphore_mem>>
          %dma_wait3A_453 = arith.constant 0 : i32
          %dma_wait3A_454 = arith.constant 0 : i32
          %dma_wait3A_455 = tpu.memref_slice %arg4[%sub3A_440, %dma_wait3A_453, %add3A, %dma_wait3A_454] : memref<200x4x32x1024xf32, #tpu.memory_space<hbm>> -> memref<1x4x1x1024xf32, #tpu.memory_space<hbm>>
          %dma_wait3A_456 = tpu.memref_squeeze %dma_wait3A_455 : memref<1x4x1x1024xf32, #tpu.memory_space<hbm>> -> memref<4x1024xf32, #tpu.memory_space<hbm>>
          %dma_wait3A_457 = arith.constant 0 : i32
          %dma_wait3A_458 = arith.constant 0 : i32
          %dma_wait3A_459 = tpu.memref_slice %arg8[%dma_wait3A_441, %dma_wait3A_457, %dma_wait3A_458] : memref<2x4x1024xf32, #tpu.memory_space<vmem>> -> memref<1x4x1024xf32, #tpu.memory_space<vmem>>
          %dma_wait3A_460 = tpu.memref_squeeze %dma_wait3A_459 : memref<1x4x1024xf32, #tpu.memory_space<vmem>> -> memref<4x1024xf32, #tpu.memory_space<vmem>>
          tpu.wait_dma2 semaphore(%dma_wait3A_452 : memref<!tpu.dma_semaphore, #tpu.memory_space<semaphore_mem>>) src(%dma_wait3A_460 : memref<4x1024xf32, #tpu.memory_space<vmem>>) dst(%dma_wait3A_456 : memref<4x1024xf32, #tpu.memory_space<hbm>>)
        } else {
        }
        %dma_start3A_425 = arith.constant 0 : i32
        %dma_start3A_426 = arith.constant 0 : i32
        %dma_start3A_427 = arith.constant 0 : i32
        %dma_start3A_428 = arith.constant 0 : i32
        %dma_start3A_429 = arith.constant 0 : i32
        %dma_start3A_430 = tpu.memref_slice %arg7[%dma_start3A_426, %dma_start3A_428, %dma_start3A_429] : memref<2x128x32xf32, #tpu.memory_space<vmem>> -> memref<1x128x32xf32, #tpu.memory_space<vmem>>
        %dma_start3A_431 = tpu.memref_squeeze %dma_start3A_430 : memref<1x128x32xf32, #tpu.memory_space<vmem>> -> memref<128x32xf32, #tpu.memory_space<vmem>>
        %dma_start3A_432 = arith.constant 0 : i32
        %dma_start3A_433 = tpu.memref_slice %arg6[%dma_start3A_425, %dma_start3A_432] : memref<2x128xi32, #tpu.memory_space<vmem>> -> memref<1x128xi32, #tpu.memory_space<vmem>>
        %dma_start3A_434 = tpu.memref_squeeze %dma_start3A_433 : memref<1x128xi32, #tpu.memory_space<vmem>> -> memref<128xi32, #tpu.memory_space<vmem>>
        %dma_start3A_435 = arith.constant 0 : i32
        %dma_start3A_436 = arith.constant 0 : i32
        %dma_start3A_437 = tpu.memref_slice %arg3[%dma_start3A_435, %dma_start3A_436] : memref<4000000x32xf32, #tpu.memory_space<hbm>> -> memref<4000000x32xf32, #tpu.memory_space<hbm>>
        %dma_start3A_438 = tpu.memref_slice %arg9[%dma_start3A_427] : memref<2x!tpu.dma_semaphore, #tpu.memory_space<semaphore_mem>> -> memref<1x!tpu.dma_semaphore, #tpu.memory_space<semaphore_mem>>
        %dma_start3A_439 = tpu.memref_squeeze %dma_start3A_438 : memref<1x!tpu.dma_semaphore, #tpu.memory_space<semaphore_mem>> -> memref<!tpu.dma_semaphore, #tpu.memory_space<semaphore_mem>>
        tpu.enqueue_indirect_dma source(%dma_start3A_437 : memref<4000000x32xf32, #tpu.memory_space<hbm>>) target(%dma_start3A_431 : memref<128x32xf32, #tpu.memory_space<vmem>>) offsets(%dma_start3A_434 : memref<128xi32, #tpu.memory_space<vmem>>) semaphore(%dma_start3A_439 : memref<!tpu.dma_semaphore, #tpu.memory_space<semaphore_mem>>)
      } else {
      }
      %dma_wait3A_253 = arith.constant 1 : i32
      %dma_wait3A_254 = arith.constant 1 : i32
      %dma_wait3A_255 = arith.constant 1 : i32
      %dma_wait3A_256 = arith.constant 0 : i32
      %dma_wait3A_257 = arith.constant 0 : i32
      %dma_wait3A_258 = tpu.memref_slice %arg7[%dma_wait3A_254, %dma_wait3A_256, %dma_wait3A_257] : memref<2x128x32xf32, #tpu.memory_space<vmem>> -> memref<1x128x32xf32, #tpu.memory_space<vmem>>
      %dma_wait3A_259 = tpu.memref_squeeze %dma_wait3A_258 : memref<1x128x32xf32, #tpu.memory_space<vmem>> -> memref<128x32xf32, #tpu.memory_space<vmem>>
      %dma_wait3A_260 = arith.constant 0 : i32
      %dma_wait3A_261 = tpu.memref_slice %arg6[%dma_wait3A_253, %dma_wait3A_260] : memref<2x128xi32, #tpu.memory_space<vmem>> -> memref<1x128xi32, #tpu.memory_space<vmem>>
      %dma_wait3A_262 = tpu.memref_squeeze %dma_wait3A_261 : memref<1x128xi32, #tpu.memory_space<vmem>> -> memref<128xi32, #tpu.memory_space<vmem>>
      %dma_wait3A_263 = arith.constant 0 : i32
      %dma_wait3A_264 = arith.constant 0 : i32
      %dma_wait3A_265 = tpu.memref_slice %arg3[%dma_wait3A_263, %dma_wait3A_264] : memref<4000000x32xf32, #tpu.memory_space<hbm>> -> memref<4000000x32xf32, #tpu.memory_space<hbm>>
      %dma_wait3A_266 = tpu.memref_slice %arg9[%dma_wait3A_255] : memref<2x!tpu.dma_semaphore, #tpu.memory_space<semaphore_mem>> -> memref<1x!tpu.dma_semaphore, #tpu.memory_space<semaphore_mem>>
      %dma_wait3A_267 = tpu.memref_squeeze %dma_wait3A_266 : memref<1x!tpu.dma_semaphore, #tpu.memory_space<semaphore_mem>> -> memref<!tpu.dma_semaphore, #tpu.memory_space<semaphore_mem>>
      tpu.wait_indirect_dma semaphore(%dma_wait3A_267 : memref<!tpu.dma_semaphore, #tpu.memory_space<semaphore_mem>>) src(%dma_wait3A_265 : memref<4000000x32xf32, #tpu.memory_space<hbm>>) dst(%dma_wait3A_259 : memref<128x32xf32, #tpu.memory_space<vmem>>)
      %parallel_loop3A_268 = arith.constant 0 : i32
      %parallel_loop3A_269 = arith.constant 32 : i32
      %parallel_loop3A_270 = arith.constant 1 : i32
      scf.for %parallel_loop3A_291 = %parallel_loop3A_268 to %parallel_loop3A_269 step %parallel_loop3A_270  : i32 {
        %parallel_loop3A_292 = arith.constant 8 : i32
        %parallel_loop3A_293 = arith.divsi %parallel_loop3A_291, %parallel_loop3A_292 : i32
        %parallel_loop3A_294 = arith.constant 8 : i32
        %parallel_loop3A_295 = arith.remsi %parallel_loop3A_291, %parallel_loop3A_294 : i32
        %parallel_loop3A_296 = arith.constant 128 : i32
        %parallel_loop3A_297 = arith.muli %parallel_loop3A_295, %parallel_loop3A_296 : i32
        %parallel_loop3A_298 = vector.broadcast %parallel_loop3A_291 : i32 to vector<16xi32>
        %parallel_loop3A_299 = arith.constant 0 : i32
        %parallel_loop3A_300 = vector.broadcast %parallel_loop3A_299 : i32 to vector<16xi32>
        %parallel_loop3A_301 = arith.addi %parallel_loop3A_300, %iota3A : vector<16xi32>
        %parallel_loop3A_302 = arith.constant 1 : i32
        %parallel_loop3A_303 = arith.constant 0 : i32
        %parallel_loop3A_304 = arith.constant 0 : i32
        %parallel_loop3A_305 = tpu.memref_slice %arg7[%parallel_loop3A_302, %parallel_loop3A_303, %parallel_loop3A_304] : memref<2x128x32xf32, #tpu.memory_space<vmem>> -> memref<1x128x32xf32, #tpu.memory_space<vmem>>
        %parallel_loop3A_306 = tpu.memref_squeeze %parallel_loop3A_305 : memref<1x128x32xf32, #tpu.memory_space<vmem>> -> memref<128x32xf32, #tpu.memory_space<vmem>>
        %parallel_loop3A_307 = tpu.vector_load_idx %parallel_loop3A_306[%parallel_loop3A_301, %parallel_loop3A_298] : memref<128x32xf32, #tpu.memory_space<vmem>>[vector<16xi32>, vector<16xi32>], vector<16xf32>,
        %parallel_loop3A_308 = arith.constant 0 : i32
        %parallel_loop3A_309 = arith.addi %parallel_loop3A_297, %parallel_loop3A_308 : i32
        %parallel_loop3A_310 = arith.constant 1 : i32
        %parallel_loop3A_311 = arith.index_cast %parallel_loop3A_310 : i32 to index
        %parallel_loop3A_312 = arith.index_cast %parallel_loop3A_293 : i32 to index
        %parallel_loop3A_313 = arith.index_cast %parallel_loop3A_309 : i32 to index
        %parallel_loop3A_314 = tpu.vector_load %arg8[%parallel_loop3A_311, %parallel_loop3A_312, %parallel_loop3A_313] {strides = array<i32>} : memref<2x4x1024xf32, #tpu.memory_space<vmem>>, vector<16xf32>,
        tpu.vector_store %arg8[%parallel_loop3A_311, %parallel_loop3A_312, %parallel_loop3A_313], %parallel_loop3A_307 {strides = array<i32>} : memref<2x4x1024xf32, #tpu.memory_space<vmem>>, vector<16xf32>,
        %parallel_loop3A_315 = arith.constant 16 : i32
        %parallel_loop3A_316 = vector.broadcast %parallel_loop3A_315 : i32 to vector<16xi32>
        %parallel_loop3A_317 = arith.addi %parallel_loop3A_316, %iota3A : vector<16xi32>
        %parallel_loop3A_318 = arith.constant 1 : i32
        %parallel_loop3A_319 = arith.constant 0 : i32
        %parallel_loop3A_320 = arith.constant 0 : i32
        %parallel_loop3A_321 = tpu.memref_slice %arg7[%parallel_loop3A_318, %parallel_loop3A_319, %parallel_loop3A_320] : memref<2x128x32xf32, #tpu.memory_space<vmem>> -> memref<1x128x32xf32, #tpu.memory_space<vmem>>
        %parallel_loop3A_322 = tpu.memref_squeeze %parallel_loop3A_321 : memref<1x128x32xf32, #tpu.memory_space<vmem>> -> memref<128x32xf32, #tpu.memory_space<vmem>>
        %parallel_loop3A_323 = tpu.vector_load_idx %parallel_loop3A_322[%parallel_loop3A_317, %parallel_loop3A_298] : memref<128x32xf32, #tpu.memory_space<vmem>>[vector<16xi32>, vector<16xi32>], vector<16xf32>,
        %parallel_loop3A_324 = arith.constant 16 : i32
        %parallel_loop3A_325 = arith.addi %parallel_loop3A_297, %parallel_loop3A_324 : i32
        %parallel_loop3A_326 = arith.constant 1 : i32
        %parallel_loop3A_327 = arith.index_cast %parallel_loop3A_326 : i32 to index
        %parallel_loop3A_328 = arith.index_cast %parallel_loop3A_293 : i32 to index
        %parallel_loop3A_329 = arith.index_cast %parallel_loop3A_325 : i32 to index
        %parallel_loop3A_330 = tpu.vector_load %arg8[%parallel_loop3A_327, %parallel_loop3A_328, %parallel_loop3A_329] {strides = array<i32>} : memref<2x4x1024xf32, #tpu.memory_space<vmem>>, vector<16xf32>,
        tpu.vector_store %arg8[%parallel_loop3A_327, %parallel_loop3A_328, %parallel_loop3A_329], %parallel_loop3A_323 {strides = array<i32>} : memref<2x4x1024xf32, #tpu.memory_space<vmem>>, vector<16xf32>,
        %parallel_loop3A_331 = arith.constant 32 : i32
        %parallel_loop3A_332 = vector.broadcast %parallel_loop3A_331 : i32 to vector<16xi32>
        %parallel_loop3A_333 = arith.addi %parallel_loop3A_332, %iota3A : vector<16xi32>
        %parallel_loop3A_334 = arith.constant 1 : i32
        %parallel_loop3A_335 = arith.constant 0 : i32
        %parallel_loop3A_336 = arith.constant 0 : i32
        %parallel_loop3A_337 = tpu.memref_slice %arg7[%parallel_loop3A_334, %parallel_loop3A_335, %parallel_loop3A_336] : memref<2x128x32xf32, #tpu.memory_space<vmem>> -> memref<1x128x32xf32, #tpu.memory_space<vmem>>
        %parallel_loop3A_338 = tpu.memref_squeeze %parallel_loop3A_337 : memref<1x128x32xf32, #tpu.memory_space<vmem>> -> memref<128x32xf32, #tpu.memory_space<vmem>>
        %parallel_loop3A_339 = tpu.vector_load_idx %parallel_loop3A_338[%parallel_loop3A_333, %parallel_loop3A_298] : memref<128x32xf32, #tpu.memory_space<vmem>>[vector<16xi32>, vector<16xi32>], vector<16xf32>,
        %parallel_loop3A_340 = arith.constant 32 : i32
        %parallel_loop3A_341 = arith.addi %parallel_loop3A_297, %parallel_loop3A_340 : i32
        %parallel_loop3A_342 = arith.constant 1 : i32
        %parallel_loop3A_343 = arith.index_cast %parallel_loop3A_342 : i32 to index
        %parallel_loop3A_344 = arith.index_cast %parallel_loop3A_293 : i32 to index
        %parallel_loop3A_345 = arith.index_cast %parallel_loop3A_341 : i32 to index
        %parallel_loop3A_346 = tpu.vector_load %arg8[%parallel_loop3A_343, %parallel_loop3A_344, %parallel_loop3A_345] {strides = array<i32>} : memref<2x4x1024xf32, #tpu.memory_space<vmem>>, vector<16xf32>,
        tpu.vector_store %arg8[%parallel_loop3A_343, %parallel_loop3A_344, %parallel_loop3A_345], %parallel_loop3A_339 {strides = array<i32>} : memref<2x4x1024xf32, #tpu.memory_space<vmem>>, vector<16xf32>,
        %parallel_loop3A_347 = arith.constant 48 : i32
        %parallel_loop3A_348 = vector.broadcast %parallel_loop3A_347 : i32 to vector<16xi32>
        %parallel_loop3A_349 = arith.addi %parallel_loop3A_348, %iota3A : vector<16xi32>
        %parallel_loop3A_350 = arith.constant 1 : i32
        %parallel_loop3A_351 = arith.constant 0 : i32
        %parallel_loop3A_352 = arith.constant 0 : i32
        %parallel_loop3A_353 = tpu.memref_slice %arg7[%parallel_loop3A_350, %parallel_loop3A_351, %parallel_loop3A_352] : memref<2x128x32xf32, #tpu.memory_space<vmem>> -> memref<1x128x32xf32, #tpu.memory_space<vmem>>
        %parallel_loop3A_354 = tpu.memref_squeeze %parallel_loop3A_353 : memref<1x128x32xf32, #tpu.memory_space<vmem>> -> memref<128x32xf32, #tpu.memory_space<vmem>>
        %parallel_loop3A_355 = tpu.vector_load_idx %parallel_loop3A_354[%parallel_loop3A_349, %parallel_loop3A_298] : memref<128x32xf32, #tpu.memory_space<vmem>>[vector<16xi32>, vector<16xi32>], vector<16xf32>,
        %parallel_loop3A_356 = arith.constant 48 : i32
        %parallel_loop3A_357 = arith.addi %parallel_loop3A_297, %parallel_loop3A_356 : i32
        %parallel_loop3A_358 = arith.constant 1 : i32
        %parallel_loop3A_359 = arith.index_cast %parallel_loop3A_358 : i32 to index
        %parallel_loop3A_360 = arith.index_cast %parallel_loop3A_293 : i32 to index
        %parallel_loop3A_361 = arith.index_cast %parallel_loop3A_357 : i32 to index
        %parallel_loop3A_362 = tpu.vector_load %arg8[%parallel_loop3A_359, %parallel_loop3A_360, %parallel_loop3A_361] {strides = array<i32>} : memref<2x4x1024xf32, #tpu.memory_space<vmem>>, vector<16xf32>,
        tpu.vector_store %arg8[%parallel_loop3A_359, %parallel_loop3A_360, %parallel_loop3A_361], %parallel_loop3A_355 {strides = array<i32>} : memref<2x4x1024xf32, #tpu.memory_space<vmem>>, vector<16xf32>,
        %parallel_loop3A_363 = arith.constant 64 : i32
        %parallel_loop3A_364 = vector.broadcast %parallel_loop3A_363 : i32 to vector<16xi32>
        %parallel_loop3A_365 = arith.addi %parallel_loop3A_364, %iota3A : vector<16xi32>
        %parallel_loop3A_366 = arith.constant 1 : i32
        %parallel_loop3A_367 = arith.constant 0 : i32
        %parallel_loop3A_368 = arith.constant 0 : i32
        %parallel_loop3A_369 = tpu.memref_slice %arg7[%parallel_loop3A_366, %parallel_loop3A_367, %parallel_loop3A_368] : memref<2x128x32xf32, #tpu.memory_space<vmem>> -> memref<1x128x32xf32, #tpu.memory_space<vmem>>
        %parallel_loop3A_370 = tpu.memref_squeeze %parallel_loop3A_369 : memref<1x128x32xf32, #tpu.memory_space<vmem>> -> memref<128x32xf32, #tpu.memory_space<vmem>>
        %parallel_loop3A_371 = tpu.vector_load_idx %parallel_loop3A_370[%parallel_loop3A_365, %parallel_loop3A_298] : memref<128x32xf32, #tpu.memory_space<vmem>>[vector<16xi32>, vector<16xi32>], vector<16xf32>,
        %parallel_loop3A_372 = arith.constant 64 : i32
        %parallel_loop3A_373 = arith.addi %parallel_loop3A_297, %parallel_loop3A_372 : i32
        %parallel_loop3A_374 = arith.constant 1 : i32
        %parallel_loop3A_375 = arith.index_cast %parallel_loop3A_374 : i32 to index
        %parallel_loop3A_376 = arith.index_cast %parallel_loop3A_293 : i32 to index
        %parallel_loop3A_377 = arith.index_cast %parallel_loop3A_373 : i32 to index
        %parallel_loop3A_378 = tpu.vector_load %arg8[%parallel_loop3A_375, %parallel_loop3A_376, %parallel_loop3A_377] {strides = array<i32>} : memref<2x4x1024xf32, #tpu.memory_space<vmem>>, vector<16xf32>,
        tpu.vector_store %arg8[%parallel_loop3A_375, %parallel_loop3A_376, %parallel_loop3A_377], %parallel_loop3A_371 {strides = array<i32>} : memref<2x4x1024xf32, #tpu.memory_space<vmem>>, vector<16xf32>,
        %parallel_loop3A_379 = arith.constant 80 : i32
        %parallel_loop3A_380 = vector.broadcast %parallel_loop3A_379 : i32 to vector<16xi32>
        %parallel_loop3A_381 = arith.addi %parallel_loop3A_380, %iota3A : vector<16xi32>
        %parallel_loop3A_382 = arith.constant 1 : i32
        %parallel_loop3A_383 = arith.constant 0 : i32
        %parallel_loop3A_384 = arith.constant 0 : i32
        %parallel_loop3A_385 = tpu.memref_slice %arg7[%parallel_loop3A_382, %parallel_loop3A_383, %parallel_loop3A_384] : memref<2x128x32xf32, #tpu.memory_space<vmem>> -> memref<1x128x32xf32, #tpu.memory_space<vmem>>
        %parallel_loop3A_386 = tpu.memref_squeeze %parallel_loop3A_385 : memref<1x128x32xf32, #tpu.memory_space<vmem>> -> memref<128x32xf32, #tpu.memory_space<vmem>>
        %parallel_loop3A_387 = tpu.vector_load_idx %parallel_loop3A_386[%parallel_loop3A_381, %parallel_loop3A_298] : memref<128x32xf32, #tpu.memory_space<vmem>>[vector<16xi32>, vector<16xi32>], vector<16xf32>,
        %parallel_loop3A_388 = arith.constant 80 : i32
        %parallel_loop3A_389 = arith.addi %parallel_loop3A_297, %parallel_loop3A_388 : i32
        %parallel_loop3A_390 = arith.constant 1 : i32
        %parallel_loop3A_391 = arith.index_cast %parallel_loop3A_390 : i32 to index
        %parallel_loop3A_392 = arith.index_cast %parallel_loop3A_293 : i32 to index
        %parallel_loop3A_393 = arith.index_cast %parallel_loop3A_389 : i32 to index
        %parallel_loop3A_394 = tpu.vector_load %arg8[%parallel_loop3A_391, %parallel_loop3A_392, %parallel_loop3A_393] {strides = array<i32>} : memref<2x4x1024xf32, #tpu.memory_space<vmem>>, vector<16xf32>,
        tpu.vector_store %arg8[%parallel_loop3A_391, %parallel_loop3A_392, %parallel_loop3A_393], %parallel_loop3A_387 {strides = array<i32>} : memref<2x4x1024xf32, #tpu.memory_space<vmem>>, vector<16xf32>,
        %parallel_loop3A_395 = arith.constant 96 : i32
        %parallel_loop3A_396 = vector.broadcast %parallel_loop3A_395 : i32 to vector<16xi32>
        %parallel_loop3A_397 = arith.addi %parallel_loop3A_396, %iota3A : vector<16xi32>
        %parallel_loop3A_398 = arith.constant 1 : i32
        %parallel_loop3A_399 = arith.constant 0 : i32
        %parallel_loop3A_400 = arith.constant 0 : i32
        %parallel_loop3A_401 = tpu.memref_slice %arg7[%parallel_loop3A_398, %parallel_loop3A_399, %parallel_loop3A_400] : memref<2x128x32xf32, #tpu.memory_space<vmem>> -> memref<1x128x32xf32, #tpu.memory_space<vmem>>
        %parallel_loop3A_402 = tpu.memref_squeeze %parallel_loop3A_401 : memref<1x128x32xf32, #tpu.memory_space<vmem>> -> memref<128x32xf32, #tpu.memory_space<vmem>>
        %parallel_loop3A_403 = tpu.vector_load_idx %parallel_loop3A_402[%parallel_loop3A_397, %parallel_loop3A_298] : memref<128x32xf32, #tpu.memory_space<vmem>>[vector<16xi32>, vector<16xi32>], vector<16xf32>,
        %parallel_loop3A_404 = arith.constant 96 : i32
        %parallel_loop3A_405 = arith.addi %parallel_loop3A_297, %parallel_loop3A_404 : i32
        %parallel_loop3A_406 = arith.constant 1 : i32
        %parallel_loop3A_407 = arith.index_cast %parallel_loop3A_406 : i32 to index
        %parallel_loop3A_408 = arith.index_cast %parallel_loop3A_293 : i32 to index
        %parallel_loop3A_409 = arith.index_cast %parallel_loop3A_405 : i32 to index
        %parallel_loop3A_410 = tpu.vector_load %arg8[%parallel_loop3A_407, %parallel_loop3A_408, %parallel_loop3A_409] {strides = array<i32>} : memref<2x4x1024xf32, #tpu.memory_space<vmem>>, vector<16xf32>,
        tpu.vector_store %arg8[%parallel_loop3A_407, %parallel_loop3A_408, %parallel_loop3A_409], %parallel_loop3A_403 {strides = array<i32>} : memref<2x4x1024xf32, #tpu.memory_space<vmem>>, vector<16xf32>,
        %parallel_loop3A_411 = arith.constant 112 : i32
        %parallel_loop3A_412 = vector.broadcast %parallel_loop3A_411 : i32 to vector<16xi32>
        %parallel_loop3A_413 = arith.addi %parallel_loop3A_412, %iota3A : vector<16xi32>
        %parallel_loop3A_414 = arith.constant 1 : i32
        %parallel_loop3A_415 = arith.constant 0 : i32
        %parallel_loop3A_416 = arith.constant 0 : i32
        %parallel_loop3A_417 = tpu.memref_slice %arg7[%parallel_loop3A_414, %parallel_loop3A_415, %parallel_loop3A_416] : memref<2x128x32xf32, #tpu.memory_space<vmem>> -> memref<1x128x32xf32, #tpu.memory_space<vmem>>
        %parallel_loop3A_418 = tpu.memref_squeeze %parallel_loop3A_417 : memref<1x128x32xf32, #tpu.memory_space<vmem>> -> memref<128x32xf32, #tpu.memory_space<vmem>>
        %parallel_loop3A_419 = tpu.vector_load_idx %parallel_loop3A_418[%parallel_loop3A_413, %parallel_loop3A_298] : memref<128x32xf32, #tpu.memory_space<vmem>>[vector<16xi32>, vector<16xi32>], vector<16xf32>,
        %parallel_loop3A_420 = arith.constant 112 : i32
        %parallel_loop3A_421 = arith.addi %parallel_loop3A_297, %parallel_loop3A_420 : i32
        %parallel_loop3A_422 = arith.constant 1 : i32
        %parallel_loop3A_423 = arith.index_cast %parallel_loop3A_422 : i32 to index
        %parallel_loop3A_424 = arith.index_cast %parallel_loop3A_293 : i32 to index
        %parallel_loop3A_425 = arith.index_cast %parallel_loop3A_421 : i32 to index
        %parallel_loop3A_426 = tpu.vector_load %arg8[%parallel_loop3A_423, %parallel_loop3A_424, %parallel_loop3A_425] {strides = array<i32>} : memref<2x4x1024xf32, #tpu.memory_space<vmem>>, vector<16xf32>,
        tpu.vector_store %arg8[%parallel_loop3A_423, %parallel_loop3A_424, %parallel_loop3A_425], %parallel_loop3A_419 {strides = array<i32>} : memref<2x4x1024xf32, #tpu.memory_space<vmem>>, vector<16xf32>,
      } {sc.loop_unroll_factor = 4 : i64, sc.parallel_access}
      %dma_start3A_271 = arith.constant 1 : i32
      %dma_start3A_272 = arith.constant 1 : i32
      %dma_start3A_273 = arith.constant 0 : i32
      %dma_start3A_274 = arith.constant 0 : i32
      %dma_start3A_275 = tpu.memref_slice %arg8[%dma_start3A_271, %dma_start3A_273, %dma_start3A_274] : memref<2x4x1024xf32, #tpu.memory_space<vmem>> -> memref<1x4x1024xf32, #tpu.memory_space<vmem>>
      %dma_start3A_276 = tpu.memref_squeeze %dma_start3A_275 : memref<1x4x1024xf32, #tpu.memory_space<vmem>> -> memref<4x1024xf32, #tpu.memory_space<vmem>>
      %dma_start3A_277 = arith.constant 0 : i32
      %dma_start3A_278 = arith.constant 0 : i32
      %dma_start3A_279 = tpu.memref_slice %arg4[%add3A_245, %dma_start3A_277, %add3A, %dma_start3A_278] : memref<200x4x32x1024xf32, #tpu.memory_space<hbm>> -> memref<1x4x1x1024xf32, #tpu.memory_space<hbm>>
      %dma_start3A_280 = tpu.memref_squeeze %dma_start3A_279 : memref<1x4x1x1024xf32, #tpu.memory_space<hbm>> -> memref<4x1024xf32, #tpu.memory_space<hbm>>
      %dma_start3A_281 = tpu.memref_slice %arg10[%dma_start3A_272] : memref<2x!tpu.dma_semaphore, #tpu.memory_space<semaphore_mem>> -> memref<1x!tpu.dma_semaphore, #tpu.memory_space<semaphore_mem>>
      %dma_start3A_282 = tpu.memref_squeeze %dma_start3A_281 : memref<1x!tpu.dma_semaphore, #tpu.memory_space<semaphore_mem>> -> memref<!tpu.dma_semaphore, #tpu.memory_space<semaphore_mem>>
      %dma_start3A_283 = arith.constant 0 : i32
      %dma_start3A_284 = arith.constant 0 : i32
      %dma_start3A_285 = tpu.memref_slice %arg4[%add3A_245, %dma_start3A_283, %add3A, %dma_start3A_284] : memref<200x4x32x1024xf32, #tpu.memory_space<hbm>> -> memref<1x4x1x1024xf32, #tpu.memory_space<hbm>>
      %dma_start3A_286 = tpu.memref_squeeze %dma_start3A_285 : memref<1x4x1x1024xf32, #tpu.memory_space<hbm>> -> memref<4x1024xf32, #tpu.memory_space<hbm>>
      %dma_start3A_287 = arith.constant 0 : i32
      %dma_start3A_288 = arith.constant 0 : i32
      %dma_start3A_289 = tpu.memref_slice %arg8[%dma_start3A_271, %dma_start3A_287, %dma_start3A_288] : memref<2x4x1024xf32, #tpu.memory_space<vmem>> -> memref<1x4x1024xf32, #tpu.memory_space<vmem>>
      %dma_start3A_290 = tpu.memref_squeeze %dma_start3A_289 : memref<1x4x1024xf32, #tpu.memory_space<vmem>> -> memref<4x1024xf32, #tpu.memory_space<vmem>>
      tpu.enqueue_dma source(%dma_start3A_290 : memref<4x1024xf32, #tpu.memory_space<vmem>>) target(%dma_start3A_286 : memref<4x1024xf32, #tpu.memory_space<hbm>>) target_semaphore(%dma_start3A_282 : memref<!tpu.dma_semaphore, #tpu.memory_space<semaphore_mem>>)
    }
    %scan3A_154 = arith.constant 100 : i32
    %dma_wait3A = arith.constant 0 : i32
    %dma_wait3A_155 = arith.constant 198 : i32
    %dma_wait3A_156 = arith.constant 0 : i32
    %dma_wait3A_157 = arith.constant 0 : i32
    %dma_wait3A_158 = arith.constant 0 : i32
    %dma_wait3A_159 = tpu.memref_slice %arg8[%dma_wait3A, %dma_wait3A_157, %dma_wait3A_158] : memref<2x4x1024xf32, #tpu.memory_space<vmem>> -> memref<1x4x1024xf32, #tpu.memory_space<vmem>>
    %dma_wait3A_160 = tpu.memref_squeeze %dma_wait3A_159 : memref<1x4x1024xf32, #tpu.memory_space<vmem>> -> memref<4x1024xf32, #tpu.memory_space<vmem>>
    %dma_wait3A_161 = arith.constant 0 : i32
    %dma_wait3A_162 = arith.constant 0 : i32
    %dma_wait3A_163 = tpu.memref_slice %arg4[%dma_wait3A_155, %dma_wait3A_161, %add3A, %dma_wait3A_162] : memref<200x4x32x1024xf32, #tpu.memory_space<hbm>> -> memref<1x4x1x1024xf32, #tpu.memory_space<hbm>>
    %dma_wait3A_164 = tpu.memref_squeeze %dma_wait3A_163 : memref<1x4x1x1024xf32, #tpu.memory_space<hbm>> -> memref<4x1024xf32, #tpu.memory_space<hbm>>
    %dma_wait3A_165 = tpu.memref_slice %arg10[%dma_wait3A_156] : memref<2x!tpu.dma_semaphore, #tpu.memory_space<semaphore_mem>> -> memref<1x!tpu.dma_semaphore, #tpu.memory_space<semaphore_mem>>
    %dma_wait3A_166 = tpu.memref_squeeze %dma_wait3A_165 : memref<1x!tpu.dma_semaphore, #tpu.memory_space<semaphore_mem>> -> memref<!tpu.dma_semaphore, #tpu.memory_space<semaphore_mem>>
    %dma_wait3A_167 = arith.constant 0 : i32
    %dma_wait3A_168 = arith.constant 0 : i32
    %dma_wait3A_169 = tpu.memref_slice %arg4[%dma_wait3A_155, %dma_wait3A_167, %add3A, %dma_wait3A_168] : memref<200x4x32x1024xf32, #tpu.memory_space<hbm>> -> memref<1x4x1x1024xf32, #tpu.memory_space<hbm>>
    %dma_wait3A_170 = tpu.memref_squeeze %dma_wait3A_169 : memref<1x4x1x1024xf32, #tpu.memory_space<hbm>> -> memref<4x1024xf32, #tpu.memory_space<hbm>>
    %dma_wait3A_171 = arith.constant 0 : i32
    %dma_wait3A_172 = arith.constant 0 : i32
    %dma_wait3A_173 = tpu.memref_slice %arg8[%dma_wait3A, %dma_wait3A_171, %dma_wait3A_172] : memref<2x4x1024xf32, #tpu.memory_space<vmem>> -> memref<1x4x1024xf32, #tpu.memory_space<vmem>>
    %dma_wait3A_174 = tpu.memref_squeeze %dma_wait3A_173 : memref<1x4x1024xf32, #tpu.memory_space<vmem>> -> memref<4x1024xf32, #tpu.memory_space<vmem>>
    tpu.wait_dma2 semaphore(%dma_wait3A_166 : memref<!tpu.dma_semaphore, #tpu.memory_space<semaphore_mem>>) src(%dma_wait3A_174 : memref<4x1024xf32, #tpu.memory_space<vmem>>) dst(%dma_wait3A_170 : memref<4x1024xf32, #tpu.memory_space<hbm>>)
    %dma_wait3A_175 = arith.constant 1 : i32
    %dma_wait3A_176 = arith.constant 199 : i32
    %dma_wait3A_177 = arith.constant 1 : i32
    %dma_wait3A_178 = arith.constant 0 : i32
    %dma_wait3A_179 = arith.constant 0 : i32
    %dma_wait3A_180 = tpu.memref_slice %arg8[%dma_wait3A_175, %dma_wait3A_178, %dma_wait3A_179] : memref<2x4x1024xf32, #tpu.memory_space<vmem>> -> memref<1x4x1024xf32, #tpu.memory_space<vmem>>
    %dma_wait3A_181 = tpu.memref_squeeze %dma_wait3A_180 : memref<1x4x1024xf32, #tpu.memory_space<vmem>> -> memref<4x1024xf32, #tpu.memory_space<vmem>>
    %dma_wait3A_182 = arith.constant 0 : i32
    %dma_wait3A_183 = arith.constant 0 : i32
    %dma_wait3A_184 = tpu.memref_slice %arg4[%dma_wait3A_176, %dma_wait3A_182, %add3A, %dma_wait3A_183] : memref<200x4x32x1024xf32, #tpu.memory_space<hbm>> -> memref<1x4x1x1024xf32, #tpu.memory_space<hbm>>
    %dma_wait3A_185 = tpu.memref_squeeze %dma_wait3A_184 : memref<1x4x1x1024xf32, #tpu.memory_space<hbm>> -> memref<4x1024xf32, #tpu.memory_space<hbm>>
    %dma_wait3A_186 = tpu.memref_slice %arg10[%dma_wait3A_177] : memref<2x!tpu.dma_semaphore, #tpu.memory_space<semaphore_mem>> -> memref<1x!tpu.dma_semaphore, #tpu.memory_space<semaphore_mem>>
    %dma_wait3A_187 = tpu.memref_squeeze %dma_wait3A_186 : memref<1x!tpu.dma_semaphore, #tpu.memory_space<semaphore_mem>> -> memref<!tpu.dma_semaphore, #tpu.memory_space<semaphore_mem>>
    %dma_wait3A_188 = arith.constant 0 : i32
    %dma_wait3A_189 = arith.constant 0 : i32
    %dma_wait3A_190 = tpu.memref_slice %arg4[%dma_wait3A_176, %dma_wait3A_188, %add3A, %dma_wait3A_189] : memref<200x4x32x1024xf32, #tpu.memory_space<hbm>> -> memref<1x4x1x1024xf32, #tpu.memory_space<hbm>>
    %dma_wait3A_191 = tpu.memref_squeeze %dma_wait3A_190 : memref<1x4x1x1024xf32, #tpu.memory_space<hbm>> -> memref<4x1024xf32, #tpu.memory_space<hbm>>
    %dma_wait3A_192 = arith.constant 0 : i32
    %dma_wait3A_193 = arith.constant 0 : i32
    %dma_wait3A_194 = tpu.memref_slice %arg8[%dma_wait3A_175, %dma_wait3A_192, %dma_wait3A_193] : memref<2x4x1024xf32, #tpu.memory_space<vmem>> -> memref<1x4x1024xf32, #tpu.memory_space<vmem>>
    %dma_wait3A_195 = tpu.memref_squeeze %dma_wait3A_194 : memref<1x4x1024xf32, #tpu.memory_space<vmem>> -> memref<4x1024xf32, #tpu.memory_space<vmem>>
    tpu.wait_dma2 semaphore(%dma_wait3A_187 : memref<!tpu.dma_semaphore, #tpu.memory_space<semaphore_mem>>) src(%dma_wait3A_195 : memref<4x1024xf32, #tpu.memory_space<vmem>>) dst(%dma_wait3A_191 : memref<4x1024xf32, #tpu.memory_space<hbm>>)
    return
  }
}

</mosaic_0001>

<sc_bundles>
// kernel: kernel.3.cloned.1.call-start
scs
__scs_entry_jumppad:
0x0: {  	(pc) =	sbr.rel $0x88, $3  }
0x1: {  	(tag) =	ssettag $0x0;
	lr =	simm.s32 $0x1  }
0x2: {  	[smem:$0x3F9F] =	sst lr;
	_ =	strace $0xD0000000  }
0x3: {  	_ = 	snop  }
0x4: {  	_ = 	snop  }
0x5: {  	_ = 	snop  }
0x6: {  	_ = 	snop  }
0x7: {  	_ = 	snop  }
__scs_overlays_trampoline_lowered:
0x8: {  	[smem:$0x3FAE] =	sst s0  }
0x9: {  	[smem:$0x3FAF] =	sst s1  }
0xa: {  	[smem:$0x3FB0] =	sst s2  }
0xb: {  	[smem:$0x3FB1] =	sst s3  }
0xc: {  	[smem:$0x3FB2] =	sst s4  }
0xd: {  	[smem:$0x3FB3] =	sst s5  }
0xe: {  	[smem:$0x3FB4] =	sst s6  }
0xf: {  	[smem:$0x3FB5] =	sst s7  }
0x10: {  	[smem:$0x3FB6] =	sst s8  }
0x11: {  	[smem:$0x3FB7] =	sst s9;
	s0 =	simm.s32 @!p0 $0x0  }
0x12: {  	s1 =	sld [smem:$0x3F9D];
	s0 =	simm.s32 @p0 $0x1  }
0x13: {  	[smem:$0x3FB8] =	sst s0;
	s0 =	simm.s32 @!p1 $0x0  }
0x14: {  	s2 =	sld [smem:$0x3F9C];
	s0 =	simm.s32 @p1 $0x1  }
0x15: {  	[smem:$0x3FB9] =	sst s0;
	s0 =	simm.s32 @!p2 $0x0  }
0x16: {  	s3 =	sld [smem:$0x3FDB];
	s0 =	simm.s32 @p2 $0x1  }
0x17: {  	s4 =	simm.s32 $0x1BF5;
	[smem:$0x3FBB] =	sst s0  }
0x18: {  	s0 =	sld [smem:$0x3F9E];
	_ =	swait.ge [sflag:s4], $0x0  }
0x19: {  	s7 =	sld [smem:$0x3F9F]  }
0x1a: {  	s8 =	sadd.s32 $0xFFFFE003, lr  }
0x1b: {  	s9 =	sadd.s32 $0xFFFFFEF7, lr;
	s5 =	simm.s32 $0xFFFFFFFF;
	p2 =	slt.u32 s8, $0xFFFFF086  }
0x1c: {  	p1 =	slt.u32 s9, $0xF7A;
	s5 =	simm.s32 @!p2 $0x0  }
0x1d: {  	s5 =	simm.s32 @p1 $0x1;
	p0 =	seq.s32 s7, s2  }
0x1e: {  	s7 =	smul.u32 @!p0 $0xF7A, s2;
	p2 =	seq.s32 @!p0 s5, $0x0  }
0x1f: {  	s9 =	smul.u32 $0xF7A, s1;
	s8 =	simm.s32 @!p0 $0x1BF5;
	p2 =	por !p2, p0  }
0x20: {  	[sflag:s8] =	ssyncset.s32 @!p0 $0xFFFFF086;
	s6 =	sadd.s32 @!p0 s3, s7;
	s7 =	simm.s32 @!p0 $0x108  }
0x21: {  	s3 =	sadd.s32 s3, s9;
	s6 =	sadd.s32 @!p0 $0x88, s6;
	s7 =	simm.s32 @p2 $0x1082  }
0x22: {  	[simem:s7], [sflag:s8] =	dma.local @!p0 [hbm:s6], $0xF7A  }
0x23: {  	s9 =	sor.u32 $0xD0000000, s2;
	s6 =	simm.s32 $0x108;
	_ =	swait.ge @!p0 [sflag:s8], $0x0  }
0x24: {  	s3 =	sadd.s32 $0x88, s3;
	s6 =	simm.s32 @!p1 $0x1082;
	[sflag:s4] =	ssyncset.s32 $0xFFFFF086  }
0x25: {  	[simem:s6], [sflag:s4] =	dma.local [hbm:s3], $0xF7A  }
0x26: {  	[smem:$0x3F9F] =	sst s1;
	(tag) =	ssettag s2;
	_ =	strace s9  }
0x27: {  	s1 =	sld [smem:$0x3FAF]  }
0x28: {  	s2 =	sld [smem:$0x3FB0]  }
0x29: {  	s4 =	sld [smem:$0x3FB2]  }
0x2a: {  	p0 =	seq.s32 s5, $0x0;
	s5 =	sld [smem:$0x3FB3]  }
0x2b: {  	s6 =	sld [smem:$0x3FB4]  }
0x2c: {  	s7 =	sld [smem:$0x3FB5]  }
0x2d: {  	s3 =	simm.s32 $0x108;
	s8 =	sld [smem:$0x3FB6]  }
0x2e: {  	s3 =	simm.s32 @!p0 $0x1082;
	s9 =	sld [smem:$0x3FB7]  }
0x2f: {  	lr =	sadd.s32 s0, s3;
	s0 =	sld [smem:$0x3FAE]  }
0x30: {  	s3 =	sld [smem:$0x3FB1]  }
0x31: {  	[smem:$0x3FBA] =	sst s10  }
0x32: {  	s10 =	sld [smem:$0x3FB8];
	_ =	sdelay $0x3  }
0x33: {  	p0 =	seq.s32 s10, $0x1;
	s10 =	sld [smem:$0x3FBA];
	_ =	sdelay $0x3  }
0x34: {  	[smem:$0x3FBA] =	sst s10  }
0x35: {  	s10 =	sld [smem:$0x3FB9];
	_ =	sdelay $0x3  }
0x36: {  	p1 =	seq.s32 s10, $0x1;
	s10 =	sld [smem:$0x3FBA];
	_ =	sdelay $0x3  }
0x37: {  	[smem:$0x3FBA] =	sst s10  }
0x38: {  	s10 =	sld [smem:$0x3FBB]  }
0x39: {  	_ = 	snop;
	(pc) =	sbr.ind lr, $3  }
0x3a: {  	_ = 	snop  }
0x3b: {  	_ = 	snop  }
0x3c: {  	p2 =	seq.s32 s10, $0x1;
	s10 =	sld [smem:$0x3FBA]  }
0x3d: {  	_ =	shalt  }
0x3e: {  	_ =	shalt  }
0x3f: {  	_ =	shalt  }
0x40: {  	_ =	shalt  }
0x41: {  	_ =	shalt  }
0x42: {  	_ =	shalt  }
0x43: {  	_ =	shalt  }
0x44: {  	_ =	shalt  }
0x45: {  	_ =	shalt  }
0x46: {  	_ =	shalt  }
0x47: {  	_ =	shalt  }
0x48: {  	_ =	shalt  }
0x49: {  	_ =	shalt  }
0x4a: {  	_ =	shalt  }
0x4b: {  	_ =	shalt  }
0x4c: {  	_ =	shalt  }
0x4d: {  	_ =	shalt  }
0x4e: {  	_ =	shalt  }
0x4f: {  	_ =	shalt  }
0x50: {  	_ =	shalt  }
0x51: {  	_ =	shalt  }
0x52: {  	_ =	shalt  }
0x53: {  	_ =	shalt  }
0x54: {  	_ =	shalt  }
0x55: {  	_ =	shalt  }
0x56: {  	_ =	shalt  }
0x57: {  	_ =	shalt  }
0x58: {  	_ =	shalt  }
0x59: {  	_ =	shalt  }
0x5a: {  	_ =	shalt  }
0x5b: {  	_ =	shalt  }
0x5c: {  	_ =	shalt  }
0x5d: {  	_ =	shalt  }
0x5e: {  	_ =	shalt  }
0x5f: {  	_ =	shalt  }
0x60: {  	_ =	shalt  }
0x61: {  	_ =	shalt  }
0x62: {  	_ =	shalt  }
0x63: {  	_ =	shalt  }
0x64: {  	_ =	shalt  }
0x65: {  	_ =	shalt  }
0x66: {  	_ =	shalt  }
0x67: {  	_ =	shalt  }
0x68: {  	_ =	shalt  }
0x69: {  	_ =	shalt  }
0x6a: {  	_ =	shalt  }
0x6b: {  	_ =	shalt  }
0x6c: {  	_ =	shalt  }
0x6d: {  	_ =	shalt  }
0x6e: {  	_ =	shalt  }
0x6f: {  	_ =	shalt  }
0x70: {  	_ =	shalt  }
0x71: {  	_ =	shalt  }
0x72: {  	_ =	shalt  }
0x73: {  	_ =	shalt  }
0x74: {  	_ =	shalt  }
0x75: {  	_ =	shalt  }
0x76: {  	_ =	shalt  }
0x77: {  	_ =	shalt  }
0x78: {  	_ =	shalt  }
0x79: {  	_ =	shalt  }
0x7a: {  	_ =	shalt  }
0x7b: {  	_ =	shalt  }
0x7c: {  	_ =	shalt  }
0x7d: {  	_ =	shalt  }
0x7e: {  	_ =	shalt  }
0x7f: {  	_ =	shalt  }
0x80: {  	_ =	shalt  }
0x81: {  	_ =	shalt  }
0x82: {  	_ =	shalt  }
0x83: {  	_ =	shalt  }
0x84: {  	_ =	shalt  }
0x85: {  	_ =	shalt  }
0x86: {  	_ =	shalt  }
0x87: {  	_ =	shalt  }
.Lfunc_end0:
.L_simem_size_0:
called_computation.1_lowered:
.L_overlay_start_0:
0x88: {  	s2 =	sld [smem:$0x3FD9]  }
0x89: {  	s3 =	sld [smem:$0x3FFE];
	_ =	sdelay $0x1  }
0x8a: {  	s1 =	srdreg.scid  }
0x8b: {  	s0 =	sand.u32 $0x1, s1  }
0x8c: {  	s17 =	sshll.u32 s0, $0xA;
	s2 =	sadd.s32 s3, s2  }
0x8d: {  	s2 =	sadd.s32 s2, s17  }
0x8e: {  	[smem:$0x3FC6] =	sst s2  }
0x8f: {  	_ = 	snop  }
0x90: {  	s2 =	sld [smem:$0x3FD0];
	(tm) =	ssettm $0x1  }
0x91: {  	s18 =	sld [smem:$0x3FFB];
	_ =	sdelay $0x3  }
0x92: {  	_ =	strace s18  }
0x93: {  	s3 =	sld [smem:$0x3FFC];
	_ =	sdelay $0x3  }
0x94: {  	_ =	strace s3  }
0x95: {  	s3 =	sld [smem:$0x3FFD];
	_ =	sdelay $0x3  }
0x96: {  	_ =	strace s3  }
0x97: {  	_ =	strace $0x8FFFFFFF  }
0x98: {  	s19 =	sld [smem:$0x3FDB];
	_ =	sdelay $0x1  }
0x99: {  	s4 =	simm.s32 $_scs_section_size  }
0x9a: {  	s5 =	simm.s32 $_size__tile_overlayer_lowered;
	s6 =	simm.s32 $_tile_overlayer_lowered  }
0x9b: {  	s22 =	simm.s32 $0x1BFF;
	s21 =	sshll.u32 s6, $0x1;
	s3 =	sadd.s32 s4, s19  }
0x9c: {  	s7 =	simm.s32 $0x0;
	s20 =	sshll.u32 s5, $0x1;
	s5 =	sadd.s32 s21, s3  }
0x9d: {  	[timem:s7], [sflag:s22] =	dma.local [hbm:s5], s20  }
0x9e: {  	_ =	swait.ge [sflag:s22], s20  }
0x9f: {  	s4 =	ssub.s32 $0x0, s20;
	[sflag:s22] =	ssyncset.done $0x0  }
0xa0: {  	[sflag:s22] =	ssyncadd.s32 s4;
	_ =	sdelay $0x1  }
0xa1: {  	s23 =	simm.s32 $0x1B8B  }
0xa2: {  	_ =	swait.ge [sflag:s23], $0x1  }
0xa3: {  	[sflag:s23] =	ssyncset.done $0x0  }
0xa4: {  	s25 =	simm.s32 $0x1B8E;
	s24 =	sld [smem:$0x3FFE];
	[sflag:s23] =	ssyncadd.s32 $0xFFFFFFFF  }
0xa5: {  	s26 =	simm.s32 $execute0_lowered;
	[smem:$0x3FD2] =	sst s25  }
0xa6: {  	s5 =	sshll.u32 s26, $0x1;
	_ =	strace $0x80000049;
	[dreg:$0x1] =	wrdreg $0xFFFFFFFF  }
0xa7: {  	s28 =	simm.s32 $_size_execute0_lowered;
	s3 =	sadd.s32 s3, s5;
	[dreg:$0x0] =	wrdreg $0x0  }
0xa8: {  	s5 =	sshll.u32 s28, $0x1;
	[dreg:$0x2] =	wrdreg s3  }
0xa9: {  	[dreg:$0x3] =	wrdreg s5  }
0xaa: {  	[dreg:$0x4] =	wrdreg $0xC0  }
0xab: {  	_ =	task [dreg:s7], $0x5FFFF  }
0xac: {  	[dreg:$0x1] =	wrdreg $0xFFFFFFFF  }
0xad: {  	[dreg:$0x0] =	wrdreg $0x60  }
0xae: {  	[dreg:$0x2] =	wrdreg s24  }
0xaf: {  	[dreg:$0x3] =	wrdreg s2  }
0xb0: {  	[dreg:$0x4] =	wrdreg $0x9  }
0xb1: {  	_ =	task.clear_ibuf [dreg:s7], $0x5FFFF;
	_ =	strace $0x90000049  }
0xb2: {  	s29 =	simm.s32 $0x9;
	_ =	strace $0x8000004B  }
0xb3: {  	_ =	swait.ge [sflag:s29], $0x1  }
0xb4: {  	[sflag:s29] =	ssyncadd.s32 $0xFFFFFFFF  }
0xb5: {  	_ =	strace $0x9000004B  }
0xb6: {  	_ =	sfence  }
0xb7: {  	s30 =	sld [smem:$0x0];
	_ =	sdelay $0x2  }
0xb8: {  	s31 =	sshll.u32 s1, $0xD;
	s1 =	sshrl.u32 s1, $0x2  }
0xb9: {  	s3 =	sand.u32 $0x4000, s31;
	s1 =	sadd.s32 s1, s30  }
0xba: {  	s0 =	sor.u32 s3, s0;
	s1 =	sshll.u32 s1, $0x11  }
0xbb: {  	s0 =	sor.u32 s1, s0  }
0xbc: {  	s0 =	sadd.s32 $0x8F2B, s0  }
0xbd: {  	[sflag:s0] =	ssyncadd.remote.s32 $0x1  }
0xbe: {  	_ =	sfence.sel $0xFFFF  }
0xbf: {  	[dreg:$0x0] =	wrdreg $0xFFFFFFFF;
	(pc) =	sbr.abs _section_cstart, $3  }
0xc0: {  	[dreg:$0x1] =	wrdreg $0xFFFFFFFF  }
0xc1: {  	_ =	task.clear_ibuf [dreg:s7], $0x2FFFF;
	_ =	strace $0x9FFFFFFF  }
0xc2: {  	(tm) =	ssettm $0x7FFFFFFF  }
0xc3: {  	_ =	shalt  }
tec
execute0_lowered:
.L_overlay_start_1:
0x0: {  	(tag) =	ssettag $0x1  }
0x1: {  	s0 =	rddreg [dreg:$0x0];
	s1 =	srdreg.scid  }
0x2: {  	s3 =	stileid.u32;
	s2 =	rddreg [dreg:$0x1];
	s9 =	simm.s32 $0x80  }
0x3: {  	s11 =	simm.s32 $0x6500;
	s13 =	simm.s32 $0x7500;
	s14 =	simm.s32 $0x1  }
0x4: {  	v3 =	vlaneseq.u32;
	s15 =	simm.s32 $0x400;
	s16 =	simm.s32 $0x8000;
	s17 =	simm.s32 $0x8500  }
0x5: {  	s18 =	simm.s32 $0x2;
	s1 =	sand.u32 $0x1, s1;
	s4 =	sshll.u32 s3, $0x1;
	v0 =	vmul.u32 $0xC8, v3  }
0x6: {  	s3 =	simm.s32 $0x0;
	s5 =	sor.u32 s1, s4;
	s1 =	ssub.s32 $0x2, s1  }
0x7: {  	v3 =	vmul.u32 $0x20, v3;
	[smem:$0x7FF] =	sst s3;
	s4 =	smul.u32 $0xC80, s5;
	s6 =	sshrl.u32 s1, $0x1;
	v1 =	vadd.s32 $0xC80, v0;
	v2 =	vadd.s32 $0x1900, v0  }
0x8: {  	s19 =	simm.s32 $0x9500;
	_ =	strace $0x8000004A;
	v4 =	vadd.s32 $0x2580, v0;
	v5 =	vadd.s32 $0x3200, v0;
	v6 =	vadd.s32 $0x3E80, v0;
	s30 =	ssub.s32 s1, s6  }
0x9: {  	v7 =	vadd.s32 $0x4B00, v0;
	v8 =	vadd.s32 $0x5780, v0;
	v9 =	vor.u32 $0x200, v3;
	s7 =	sadd.s32 s4, s0;
	s4 =	sadd.s32 $0xF5BE00, s0;
	s0 =	smax.u32 s30, $0x1  }
0xa: {  	s20 =	simm.s32 $0x3;
	v10 =	vor.u32 $0x400, v3;
	v11 =	vor.u32 $0x600, v3;
	v12 =	vor.u32 $0x800, v3;
	s31 =	sadd.s32 $0xF42E00, s7;
	[dreg:$0x4] =	wrdreg s0  }
0xb: {  	v13 =	vor.u32 $0xA00, v3;
	v14 =	vor.u32 $0xC00, v3;
	v15 =	vor.u32 $0xE00, v3;
	s6 =	sshll.u32 s5, $0xA;
	s5 =	simm.s32 $0x0;
	[dreg:$0x3] =	wrdreg s31  }
.LBB2_1:
0xc: {  	[dreg:$0x5] =	wrdreg s5  }
0xd: {  	s0 =	rddreg [dreg:$0x3];
	s30 =	simm.s32 $0x5  }
0xe: {  	[tilespmem:s3], [sflag:$0x5] =	stream.linear.gather [hbm4b:s0+s3], $0x6400, $0x38;
	[tilespmem:$0xA500] =	vst v63  }
0xf: {  	_ =	swait.ge [sflag:s30], $0x6400  }
0x10: {  	[sflag:s30] =	ssyncset.done $0x0  }
0x11: {  	[sflag:s30] =	ssyncadd.s32 $0xFFFF9C00  }
0x12: {  	v16 =	vld.idx.msk [tilespmem:v0+s3+$0x0], $0xffff;
	_ =	sdelay $0x4  }
0x13: {  	v16 =	vshll.u32 v16, $0x2  }
0x14: {  	[tilespmem:$0x6400] =	vst v16  }
0x15: {  	v16 =	vld.idx.msk [tilespmem:v1+s3+$0x0], $0xffff;
	_ =	sdelay $0x4  }
0x16: {  	v16 =	vshll.u32 v16, $0x2  }
0x17: {  	[tilespmem:$0x6410] =	vst v16  }
0x18: {  	v16 =	vld.idx.msk [tilespmem:v2+s3+$0x0], $0xffff;
	_ =	sdelay $0x4  }
0x19: {  	v16 =	vshll.u32 v16, $0x2  }
0x1a: {  	[tilespmem:$0x6420] =	vst v16  }
0x1b: {  	v16 =	vld.idx.msk [tilespmem:v4+s3+$0x0], $0xffff;
	_ =	sdelay $0x4  }
0x1c: {  	v16 =	vshll.u32 v16, $0x2  }
0x1d: {  	[tilespmem:$0x6430] =	vst v16  }
0x1e: {  	v16 =	vld.idx.msk [tilespmem:v5+s3+$0x0], $0xffff;
	_ =	sdelay $0x4  }
0x1f: {  	v16 =	vshll.u32 v16, $0x2  }
0x20: {  	[tilespmem:$0x6440] =	vst v16  }
0x21: {  	v16 =	vld.idx.msk [tilespmem:v6+s3+$0x0], $0xffff;
	_ =	sdelay $0x4  }
0x22: {  	v16 =	vshll.u32 v16, $0x2  }
0x23: {  	[tilespmem:$0x6450] =	vst v16  }
0x24: {  	v16 =	vld.idx.msk [tilespmem:v7+s3+$0x0], $0xffff;
	_ =	sdelay $0x4  }
0x25: {  	v16 =	vshll.u32 v16, $0x2  }
0x26: {  	[tilespmem:$0x6460] =	vst v16  }
0x27: {  	v16 =	vld.idx.msk [tilespmem:v8+s3+$0x0], $0xffff;
	_ =	sdelay $0x4  }
0x28: {  	v16 =	vshll.u32 v16, $0x2  }
0x29: {  	s31 =	simm.s32 $0x6400;
	s23 =	simm.s32 $0x0;
	[tilespmem:$0x6470] =	vst v16  }
0x2a: {  	[tilespmem:s11], [sflag:$0x1] =	stream.indirect.gather [hbm4b:s4+s9], $0x20, s31, s9, $0xb8;
	[tilespmem:$0xA500] =	vst v63  }
.LBB2_2:
0x2b: {  	s24 =	sshllo.u32 s23, $0x1  }
0x2c: {  	v16 =	vadd.s32 s24, v0;
	_ =	sdelay $0x4  }
0x2d: {  	v16 =	vld.idx.msk [tilespmem:v16+s3+$0x0], $0xffff;
	_ =	sdelay $0x1  }
0x2e: {  	v17 =	vadd.s32 s24, v1;
	_ =	sdelay $0x2  }
0x2f: {  	v16 =	vshll.u32 v16, $0x2  }
0x30: {  	[tilespmem:$0x6480] =	vst v16  }
0x31: {  	v16 =	vld.idx.msk [tilespmem:v17+s3+$0x0], $0xffff;
	_ =	sdelay $0x1  }
0x32: {  	v17 =	vadd.s32 s24, v2;
	_ =	sdelay $0x2  }
0x33: {  	v16 =	vshll.u32 v16, $0x2  }
0x34: {  	[tilespmem:$0x6490] =	vst v16  }
0x35: {  	v16 =	vld.idx.msk [tilespmem:v17+s3+$0x0], $0xffff;
	_ =	sdelay $0x1  }
0x36: {  	v17 =	vadd.s32 s24, v4;
	_ =	sdelay $0x2  }
0x37: {  	v16 =	vshll.u32 v16, $0x2  }
0x38: {  	[tilespmem:$0x64A0] =	vst v16  }
0x39: {  	v16 =	vld.idx.msk [tilespmem:v17+s3+$0x0], $0xffff;
	_ =	sdelay $0x1  }
0x3a: {  	v17 =	vadd.s32 s24, v5;
	_ =	sdelay $0x2  }
0x3b: {  	v16 =	vshll.u32 v16, $0x2  }
0x3c: {  	[tilespmem:$0x64B0] =	vst v16  }
0x3d: {  	v16 =	vld.idx.msk [tilespmem:v17+s3+$0x0], $0xffff;
	_ =	sdelay $0x1  }
0x3e: {  	v17 =	vadd.s32 s24, v6;
	_ =	sdelay $0x2  }
0x3f: {  	v16 =	vshll.u32 v16, $0x2  }
0x40: {  	[tilespmem:$0x64C0] =	vst v16  }
0x41: {  	v16 =	vld.idx.msk [tilespmem:v17+s3+$0x0], $0xffff;
	_ =	sdelay $0x1  }
0x42: {  	v17 =	vadd.s32 s24, v7;
	_ =	sdelay $0x2  }
0x43: {  	v16 =	vshll.u32 v16, $0x2  }
0x44: {  	[tilespmem:$0x64D0] =	vst v16  }
0x45: {  	v16 =	vld.idx.msk [tilespmem:v17+s3+$0x0], $0xffff;
	_ =	sdelay $0x1  }
0x46: {  	v17 =	vadd.s32 s24, v8;
	_ =	sdelay $0x2  }
0x47: {  	v16 =	vshll.u32 v16, $0x2  }
0x48: {  	[tilespmem:$0x64E0] =	vst v16  }
0x49: {  	v16 =	vld.idx.msk [tilespmem:v17+s3+$0x0], $0xffff;
	_ =	sdelay $0x3  }
0x4a: {  	s0 =	simm.s32 $0x3  }
0x4b: {  	p0 =	seq.s32 s23, $0x0;
	s1 =	simm.s32 $0x1;
	v17 =	vmov s0;
	v16 =	vshll.u32 v16, $0x2  }
0x4c: {  	s5 =	simm.s32 $0x2;
	s0 =	simm.s32 @!p0 $0x4;
	v17 =	vand.u32 $0x1F, v17;
	[tilespmem:$0x64F0] =	vst v16;
	v16 =	vmov s1  }
0x4d: {  	v18 =	vmov s5;
	v22 =	vbroadcast v17, $0x0;
	_ =	swait.ge @!p0 [sflag:s0], $0x1000;
	v16 =	vand.u32 $0x1D, v16  }
0x4e: {  	s7 =	simm.s32 $0x0;
	[sflag:s0] =	ssyncset.done @!p0 $0x0;
	v25 =	vbroadcast v16, $0x0;
	v16 =	vand.u32 $0x1E, v18  }
0x4f: {  	s8 =	simm.s32 $0x6480;
	v17 =	vmov s7;
	[sflag:s0] =	ssyncadd.s32 @!p0 $0xFFFFF000;
	v24 =	vbroadcast v16, $0x0;
	v16 =	vor.u32 v3, v22  }
0x50: {  	v17 =	vand.u32 $0x1C, v17;
	[tilespmem:s13], [sflag:$0x2] =	stream.indirect.gather [hbm4b:s4+s9], $0x20, s8, s9, $0xb8;
	v18 =	vor.u32 v3, v25;
	[tilespmem:$0xA500] =	vst v63  }
0x51: {  	v20 =	vbroadcast v17, $0x0;
	_ =	swait.ge [sflag:s14], $0x1000;
	v17 =	vor.u32 v3, v24  }
0x52: {  	[sflag:s14] =	ssyncset.done $0x0  }
0x53: {  	v19 =	vor.u32 v3, v20;
	[sflag:s14] =	ssyncadd.s32 $0xFFFFF000  }
0x54: {  	v16 =	vld.idx.msk [tilespmem:v16+s11+$0x0], $0xffff  }
0x55: {  	s5 =	simm.s32 $0x0;
	v21 =	vor.u32 v9, v22;
	v18 =	vld.idx.msk [tilespmem:v18+s11+$0x0], $0xffff  }
0x56: {  	s10 =	simm.s32 $0x180;
	s12 =	sand.u32 $0xC00, s5;
	v23 =	vor.u32 v9, v25;
	v17 =	vld.idx.msk [tilespmem:v17+s11+$0x0], $0xffff  }
0x57: {  	s7 =	simm.s32 $0x80;
	s0 =	sand.u32 $0x380, s10;
	s8 =	sadd.s32 $0x8500, s12;
	v26 =	vor.u32 v9, v24  }
0x58: {  	s21 =	simm.s32 $0x100;
	s7 =	sand.u32 $0x280, s7;
	s0 =	sadd.s32 s0, s8;
	v19 =	vld.idx.msk [tilespmem:v19+s11+$0x0], $0xffff  }
0x59: {  	s1 =	sand.u32 $0x300, s21;
	v27 =	vor.u32 v9, v20;
	s31 =	sor.u32 s7, s8;
	[tilespmem:s0+$0x0] =	vst v16  }
0x5a: {  	s1 =	sadd.s32 s1, s8;
	[tilespmem:s31+$0x0] =	vst v18;
	v16 =	vld.idx.msk [tilespmem:v21+s11+$0x0], $0xffff  }
0x5b: {  	s5 =	sand.u32 $0x200, s5;
	v18 =	vld.idx.msk [tilespmem:v23+s11+$0x0], $0xffff;
	[tilespmem:s1+$0x0] =	vst v17;
	v17 =	vor.u32 v10, v22  }
0x5c: {  	s26 =	sor.u32 s5, s8;
	v23 =	vor.u32 v10, v25;
	v21 =	vld.idx.msk [tilespmem:v26+s11+$0x0], $0xffff  }
0x5d: {  	[tilespmem:s26+$0x0] =	vst v19;
	v19 =	vor.u32 v10, v24  }
0x5e: {  	v26 =	vld.idx.msk [tilespmem:v27+s11+$0x0], $0xffff  }
0x5f: {  	s22 =	simm.s32 $0x4;
	v27 =	vor.u32 v10, v20;
	[tilespmem:s0+$0x10] =	vst v16  }
0x60: {  	v16 =	vmov s22;
	[tilespmem:s31+$0x10] =	vst v18;
	v18 =	vld.idx.msk [tilespmem:v17+s11+$0x0], $0xffff  }
0x61: {  	s25 =	simm.s32 $0x5;
	v16 =	vand.u32 $0x1C, v16;
	v23 =	vld.idx.msk [tilespmem:v23+s11+$0x0], $0xffff;
	[tilespmem:s1+$0x10] =	vst v21;
	v21 =	vor.u32 v11, v22  }
0x62: {  	v28 =	vor.u32 v11, v25;
	v17 =	vmov s25;
	v16 =	vbroadcast v16, $0x0;
	v19 =	vld.idx.msk [tilespmem:v19+s11+$0x0], $0xffff  }
0x63: {  	v17 =	vand.u32 $0x1D, v17;
	[tilespmem:s26+$0x10] =	vst v26;
	v26 =	vor.u32 v11, v24  }
0x64: {  	v17 =	vbroadcast v17, $0x0;
	v27 =	vld.idx.msk [tilespmem:v27+s11+$0x0], $0xffff;
	v29 =	vor.u32 v3, v16  }
0x65: {  	v30 =	vor.u32 v11, v20;
	s7 =	simm.s32 $0x7;
	[tilespmem:s0+$0x20] =	vst v18  }
0x66: {  	s8 =	simm.s32 $0x6;
	v31 =	vor.u32 v3, v17;
	v18 =	vmov s7;
	[tilespmem:s31+$0x20] =	vst v23;
	v23 =	vld.idx.msk [tilespmem:v21+s11+$0x0], $0xffff  }
0x67: {  	v33 =	vmov s8;
	v18 =	vand.u32 $0x1F, v18;
	v28 =	vld.idx.msk [tilespmem:v28+s11+$0x0], $0xffff;
	[tilespmem:s1+$0x20] =	vst v19;
	v19 =	vor.u32 v12, v22  }
0x68: {  	v32 =	vor.u32 v12, v25;
	v21 =	vbroadcast v18, $0x0;
	v18 =	vand.u32 $0x1E, v33;
	v26 =	vld.idx.msk [tilespmem:v26+s11+$0x0], $0xffff  }
0x69: {  	[tilespmem:s26+$0x20] =	vst v27;
	v27 =	vor.u32 v12, v24;
	v29 =	vld.idx.msk [tilespmem:v29+s11+$0x0], $0xffff;
	v18 =	vbroadcast v18, $0x0  }
0x6a: {  	v30 =	vld.idx.msk [tilespmem:v30+s11+$0x0], $0xffff;
	v53 =	vor.u32 v3, v21  }
0x6b: {  	v31 =	vld.idx.msk [tilespmem:v31+s11+$0x0], $0xffff;
	v34 =	vor.u32 v3, v18;
	[tilespmem:s0+$0x30] =	vst v23  }
0x6c: {  	s8 =	simm.s32 $0x8;
	v23 =	vor.u32 v12, v20;
	[tilespmem:s31+$0x30] =	vst v28;
	v28 =	vld.idx.msk [tilespmem:v19+s11+$0x0], $0xffff  }
0x6d: {  	v19 =	vmov s8;
	v32 =	vld.idx.msk [tilespmem:v32+s11+$0x0], $0xffff;
	[tilespmem:s1+$0x30] =	vst v26;
	v26 =	vor.u32 v13, v22  }
0x6e: {  	v35 =	vor.u32 v13, v25;
	v19 =	vand.u32 $0x1C, v19;
	v27 =	vld.idx.msk [tilespmem:v27+s11+$0x0], $0xffff  }
0x6f: {  	v54 =	vor.u32 v13, v24;
	[tilespmem:s26+$0x30] =	vst v30;
	v19 =	vbroadcast v19, $0x0;
	v30 =	vld.idx.msk [tilespmem:v53+s11+$0x0], $0xffff  }
0x70: {  	s21 =	simm.s32 $0x200;
	v38 =	vor.u32 v9, v21;
	v34 =	vld.idx.msk [tilespmem:v34+s11+$0x0], $0xffff  }
0x71: {  	s10 =	sand.u32 $0xC00, s21;
	s7 =	simm.s32 $0x380;
	v36 =	vor.u32 v3, v19;
	v37 =	vld.idx.msk [tilespmem:v23+s11+$0x0], $0xffff;
	[tilespmem:s0+$0x40] =	vst v28  }
0x72: {  	s22 =	simm.s32 $0x280;
	s25 =	sadd.s32 $0x8500, s10;
	s12 =	sand.u32 $0x380, s7;
	v55 =	vor.u32 v9, v18;
	[tilespmem:s31+$0x40] =	vst v32;
	v26 =	vld.idx.msk [tilespmem:v26+s11+$0x0], $0xffff  }
0x73: {  	s28 =	simm.s32 $0x300;
	s22 =	sand.u32 $0x280, s22;
	s5 =	sadd.s32 s12, s25;
	v28 =	vor.u32 v9, v17;
	v35 =	vld.idx.msk [tilespmem:v35+s11+$0x0], $0xffff;
	[tilespmem:s1+$0x40] =	vst v27  }
0x74: {  	s28 =	sand.u32 $0x300, s28;
	v56 =	vor.u32 v14, v22;
	s30 =	sor.u32 s22, s25;
	[tilespmem:s5+$0x0] =	vst v30;
	v27 =	vld.idx.msk [tilespmem:v54+s11+$0x0], $0xffff  }
0x75: {  	s21 =	sand.u32 $0x200, s21;
	s28 =	sadd.s32 s28, s25;
	v57 =	vor.u32 v9, v16;
	[tilespmem:s30+$0x0] =	vst v31;
	v30 =	vld.idx.msk [tilespmem:v38+s11+$0x0], $0xffff  }
0x76: {  	s25 =	sor.u32 s21, s25;
	v31 =	vor.u32 v13, v20;
	[tilespmem:s28+$0x0] =	vst v34;
	v23 =	vld.idx.msk [tilespmem:v36+s11+$0x0], $0xffff  }
0x77: {  	v58 =	vor.u32 v14, v25;
	[tilespmem:s25+$0x0] =	vst v29;
	v32 =	vld.idx.msk [tilespmem:v55+s11+$0x0], $0xffff  }
0x78: {  	v59 =	vor.u32 v10, v21;
	v28 =	vld.idx.msk [tilespmem:v28+s11+$0x0], $0xffff;
	[tilespmem:s0+$0x50] =	vst v26  }
0x79: {  	v29 =	vor.u32 v10, v17;
	[tilespmem:s26+$0x40] =	vst v37;
	v33 =	vld.idx.msk [tilespmem:v56+s11+$0x0], $0xffff  }
0x7a: {  	v22 =	vor.u32 v15, v22;
	v36 =	vld.idx.msk [tilespmem:v57+s11+$0x0], $0xffff;
	[tilespmem:s31+$0x50] =	vst v35  }
0x7b: {  	v39 =	vor.u32 v10, v18;
	v31 =	vld.idx.msk [tilespmem:v31+s11+$0x0], $0xffff;
	[tilespmem:s5+$0x10] =	vst v30  }
0x7c: {  	v60 =	vor.u32 v10, v16;
	v26 =	vld.idx.msk [tilespmem:v58+s11+$0x0], $0xffff;
	[tilespmem:s1+$0x50] =	vst v27  }
0x7d: {  	v62 =	vor.u32 v14, v20;
	s22 =	simm.s32 $0x9;
	[tilespmem:s30+$0x10] =	vst v28;
	v28 =	vld.idx.msk [tilespmem:v59+s11+$0x0], $0xffff  }
0x7e: {  	v30 =	vor.u32 v14, v24;
	v61 =	vld.idx.msk [tilespmem:v29+s11+$0x0], $0xffff;
	v29 =	vmov s22;
	[tilespmem:s0+$0x60] =	vst v33  }
0x7f: {  	v40 =	vor.u32 v11, v21;
	[tilespmem:s28+$0x10] =	vst v32;
	v35 =	vld.idx.msk [tilespmem:v22+s11+$0x0], $0xffff;
	v22 =	vand.u32 $0x1D, v29  }
0x80: {  	v63 =	vor.u32 v11, v17;
	[tilespmem:s25+$0x10] =	vst v36;
	v39 =	vld.idx.msk [tilespmem:v39+s11+$0x0], $0xffff;
	v22 =	vbroadcast v22, $0x0  }
0x81: {  	v37 =	vor.u32 v11, v18;
	v32 =	vld.idx.msk [tilespmem:v60+s11+$0x0], $0xffff;
	[tilespmem:s26+$0x50] =	vst v31  }
0x82: {  	v27 =	vld.idx.msk [tilespmem:v62+s11+$0x0], $0xffff;
	[tilespmem:s5+$0x20] =	vst v28;
	v28 =	vor.u32 v3, v22  }
0x83: {  	v33 =	vor.u32 v11, v16;
	v29 =	vld.idx.msk [tilespmem:v30+s11+$0x0], $0xffff  }
0x84: {  	v34 =	vor.u32 v15, v25;
	[tilespmem:s30+$0x20] =	vst v61;
	v30 =	vld.idx.msk [tilespmem:v40+s11+$0x0], $0xffff  }
0x85: {  	s29 =	sshll.u32 s23, $0x1;
	s21 =	simm.s32 $0xC;
	v36 =	vor.u32 v15, v24;
	s22 =	simm.s32 $0xB;
	[tilespmem:s28+$0x20] =	vst v39;
	v31 =	vld.idx.msk [tilespmem:v63+s11+$0x0], $0xffff  }
.LBB2_3:
0x86: {  	p0 =	slt.u32 s21, $0x1C;
	v24 =	vmov s22;
	v25 =	vld.idx.msk [tilespmem:v37+s11+$0x0], $0xffff;
	v37 =	vor.u32 v12, v21;
	[tilespmem:s0+$0x70] =	vst v35;
	s0 =	smov.u32 s5  }
0x87: {  	s5 =	sadd.s32 $0x2, s8;
	s8 =	smov.u32 s21;
	v28 =	vld.idx.msk [tilespmem:v28+s11+$0x0], $0xffff;
	v24 =	vand.u32 $0x1F, v24;
	[tilespmem:s25+$0x20] =	vst v32;
	v32 =	vor.u32 v12, v17  }
0x88: {  	v39 =	vor.u32 v12, v18;
	v35 =	vmov s5;
	v38 =	vbroadcast v24, $0x0;
	v33 =	vld.idx.msk [tilespmem:v33+s11+$0x0], $0xffff;
	[tilespmem:s31+$0x60] =	vst v26  }
0x89: {  	v24 =	vand.u32 $0x1E, v35;
	v26 =	vor.u32 v15, v20;
	v20 =	vmovc v16;
	v16 =	vmov v19;
	v34 =	vld.idx.msk [tilespmem:v34+s11+$0x0], $0xffff;
	[tilespmem:s1+$0x60] =	vst v29  }
0x8a: {  	v24 =	vbroadcast v24, $0x0;
	v29 =	vor.u32 v3, v38;
	[tilespmem:s0+$0x30] =	vst v30;
	v30 =	vld.idx.msk [tilespmem:v36+s11+$0x0], $0xffff  }
0x8b: {  	v35 =	vor.u32 v12, v20;
	[tilespmem:s30+$0x30] =	vst v31;
	v31 =	vld.idx.msk [tilespmem:v37+s11+$0x0], $0xffff  }
0x8c: {  	v19 =	vmov s21;
	v36 =	vor.u32 v3, v24;
	v32 =	vld.idx.msk [tilespmem:v32+s11+$0x0], $0xffff;
	[tilespmem:s28+$0x30] =	vst v25  }
0x8d: {  	v19 =	vand.u32 $0x1C, v19;
	v37 =	vor.u32 v13, v21;
	v25 =	vld.idx.msk [tilespmem:v39+s11+$0x0], $0xffff;
	[tilespmem:s26+$0x60] =	vst v27  }
0x8e: {  	v19 =	vbroadcast v19, $0x0;
	v27 =	vor.u32 v13, v17;
	[tilespmem:s25+$0x30] =	vst v33;
	v26 =	vld.idx.msk [tilespmem:v26+s11+$0x0], $0xffff  }
0x8f: {  	v33 =	vor.u32 v13, v18;
	v29 =	vld.idx.msk [tilespmem:v29+s11+$0x0], $0xffff;
	[tilespmem:s31+$0x70] =	vst v34;
	s31 =	smov.u32 s30  }
0x90: {  	s7 =	sadd.s32 $0x200, s7;
	v34 =	vor.u32 v3, v19;
	v35 =	vld.idx.msk [tilespmem:v35+s11+$0x0], $0xffff;
	[tilespmem:s1+$0x70] =	vst v30;
	s1 =	smov.u32 s28  }
0x91: {  	s5 =	sadd.s32 $0xFFFFFE80, s7;
	s22 =	sadd.s32 $0xFFFFFF00, s7;
	s28 =	sadd.s32 $0xFFFFFF80, s7;
	v30 =	vld.idx.msk [tilespmem:v36+s11+$0x0], $0xffff;
	v36 =	vor.u32 v9, v38;
	[tilespmem:s0+$0x40] =	vst v31  }
0x92: {  	s22 =	sand.u32 $0x280, s22;
	s30 =	sand.u32 $0x200, s5;
	s5 =	sand.u32 $0xC00, s5;
	v31 =	vor.u32 v9, v22;
	[tilespmem:s31+$0x40] =	vst v32;
	v32 =	vld.idx.msk [tilespmem:v37+s11+$0x0], $0xffff  }
0x93: {  	s10 =	sadd.s32 $0x8500, s5;
	s5 =	sand.u32 $0x380, s7;
	s28 =	sand.u32 $0x300, s28;
	v37 =	vor.u32 v9, v24;
	v27 =	vld.idx.msk [tilespmem:v27+s11+$0x0], $0xffff;
	[tilespmem:s1+$0x40] =	vst v25  }
0x94: {  	s12 =	sor.u32 s30, s10;
	s30 =	sor.u32 s22, s10;
	s5 =	sadd.s32 s5, s10;
	v25 =	vld.idx.msk [tilespmem:v33+s11+$0x0], $0xffff;
	v33 =	vor.u32 v14, v21;
	[tilespmem:s26+$0x70] =	vst v26  }
0x95: {  	s28 =	sadd.s32 s28, s10;
	s26 =	smov.u32 s25;
	s25 =	smov.u32 s12;
	v26 =	vld.idx.msk [tilespmem:v34+s11+$0x0], $0xffff;
	v34 =	vor.u32 v9, v16;
	[tilespmem:s5+$0x0] =	vst v29  }
0x96: {  	v29 =	vor.u32 v13, v20;
	[tilespmem:s30+$0x0] =	vst v28;
	v28 =	vld.idx.msk [tilespmem:v36+s11+$0x0], $0xffff  }
0x97: {  	v31 =	vld.idx.msk [tilespmem:v31+s11+$0x0], $0xffff;
	[tilespmem:s28+$0x0] =	vst v30;
	v30 =	vor.u32 v14, v17  }
0x98: {  	v36 =	vld.idx.msk [tilespmem:v37+s11+$0x0], $0xffff;
	v37 =	vor.u32 v10, v38;
	[tilespmem:s0+$0x50] =	vst v32  }
0x99: {  	v32 =	vor.u32 v10, v22;
	[tilespmem:s25+$0x0] =	vst v23;
	v33 =	vld.idx.msk [tilespmem:v33+s11+$0x0], $0xffff  }
0x9a: {  	v39 =	vor.u32 v10, v24;
	v34 =	vld.idx.msk [tilespmem:v34+s11+$0x0], $0xffff;
	[tilespmem:s26+$0x40] =	vst v35  }
0x9b: {  	v23 =	vmov v26;
	v29 =	vld.idx.msk [tilespmem:v29+s11+$0x0], $0xffff;
	[tilespmem:s31+$0x50] =	vst v27;
	v27 =	vor.u32 v15, v21;
	v21 =	vmov v38  }
0x9c: {  	v38 =	vor.u32 v10, v16;
	[tilespmem:s5+$0x10] =	vst v28;
	v26 =	vld.idx.msk [tilespmem:v30+s11+$0x0], $0xffff  }
0x9d: {  	s10 =	sadd.s32 $0x1, s21;
	[tilespmem:s30+$0x10] =	vst v31;
	v30 =	vld.idx.msk [tilespmem:v37+s11+$0x0], $0xffff;
	v31 =	vor.u32 v14, v18  }
0x9e: {  	v28 =	vmov s10;
	v40 =	vld.idx.msk [tilespmem:v32+s11+$0x0], $0xffff;
	[tilespmem:s28+$0x10] =	vst v36;
	v36 =	vor.u32 v14, v20  }
0x9f: {  	v41 =	vor.u32 v11, v21;
	v28 =	vand.u32 $0x1D, v28;
	v39 =	vld.idx.msk [tilespmem:v39+s11+$0x0], $0xffff;
	[tilespmem:s0+$0x60] =	vst v33  }
0xa0: {  	v43 =	vor.u32 v11, v22;
	v42 =	vbroadcast v28, $0x0;
	[tilespmem:s25+$0x10] =	vst v34;
	v35 =	vld.idx.msk [tilespmem:v27+s11+$0x0], $0xffff  }
.Ltmp0:
0xa1: {  	v37 =	vor.u32 v11, v24;
	v32 =	vld.idx.msk [tilespmem:v38+s11+$0x0], $0xffff;
	[tilespmem:s1+$0x50] =	vst v25;
	(pc) =	sbr.rel @p0 .LBB2_3-.Ltmp0, $4  }
0xa2: {  	v28 =	vor.u32 v3, v42;
	[tilespmem:s26+$0x50] =	vst v29;
	v29 =	vld.idx.msk [tilespmem:v31+s11+$0x0], $0xffff  }
0xa3: {  	v33 =	vor.u32 v11, v16;
	[tilespmem:s5+$0x20] =	vst v30;
	v27 =	vld.idx.msk [tilespmem:v36+s11+$0x0], $0xffff  }
0xa4: {  	v34 =	vor.u32 v15, v17;
	v17 =	vmov v22;
	v22 =	vmov v42;
	[tilespmem:s30+$0x20] =	vst v40;
	v30 =	vld.idx.msk [tilespmem:v41+s11+$0x0], $0xffff  }
0xa5: {  	s22 =	sadd.s32 $0x3, s8;
	s21 =	sadd.s32 $0x4, s21;
	v36 =	vor.u32 v15, v18;
	v18 =	vmov v24;
	v31 =	vld.idx.msk [tilespmem:v43+s11+$0x0], $0xffff;
	[tilespmem:s28+$0x20] =	vst v39  }
0xa6: {  	_ =	sdelay $0x1  }
0xa7: {  	v24 =	vmov s22;
	[tilespmem:s0+$0x70] =	vst v35  }
0xa8: {  	v57 =	vor.u32 v12, v21;
	s10 =	sadd.s32 $0x2, s8;
	[tilespmem:s25+$0x20] =	vst v32;
	v24 =	vand.u32 $0x1F, v24  }
0xa9: {  	v56 =	vld.idx.msk [tilespmem:v37+s11+$0x0], $0xffff;
	[tilespmem:s31+$0x60] =	vst v26;
	v38 =	vmov s10;
	v25 =	vbroadcast v24, $0x0  }
0xaa: {  	v59 =	vor.u32 v12, v18;
	v26 =	vld.idx.msk [tilespmem:v33+s11+$0x0], $0xffff;
	[tilespmem:s1+$0x60] =	vst v29;
	v24 =	vand.u32 $0x1E, v38  }
0xab: {  	v29 =	vld.idx.msk [tilespmem:v34+s11+$0x0], $0xffff;
	[tilespmem:s26+$0x60] =	vst v27;
	v24 =	vbroadcast v24, $0x0;
	v60 =	vor.u32 v3, v25  }
0xac: {  	[tilespmem:s5+$0x30] =	vst v30;
	v30 =	vld.idx.msk [tilespmem:v36+s11+$0x0], $0xffff  }
0xad: {  	[tilespmem:s30+$0x30] =	vst v31;
	v31 =	vld.idx.msk [tilespmem:v57+s11+$0x0], $0xffff;
	v61 =	vor.u32 v3, v24  }
0xae: {  	v58 =	vor.u32 v12, v17;
	s12 =	sadd.s32 $0x200, s7;
	v28 =	vld.idx.msk [tilespmem:v28+s11+$0x0], $0xffff;
	[tilespmem:s28+$0x30] =	vst v56  }
0xaf: {  	v20 =	vor.u32 v15, v20;
	s7 =	sadd.s32 $0xFFFFFE80, s12;
	v27 =	vld.idx.msk [tilespmem:v59+s11+$0x0], $0xffff;
	[tilespmem:s25+$0x30] =	vst v26  }
0xb0: {  	s22 =	sadd.s32 $0xFFFFFF00, s12;
	s21 =	sand.u32 $0xC00, s7;
	v26 =	vor.u32 v13, v21;
	[tilespmem:s31+$0x70] =	vst v29;
	v62 =	vld.idx.msk [tilespmem:v60+s11+$0x0], $0xffff  }
0xb1: {  	s8 =	sand.u32 $0x280, s22;
	s10 =	sadd.s32 $0x8500, s21;
	v29 =	vor.u32 v9, v25;
	s31 =	sand.u32 $0x380, s12;
	[tilespmem:s1+$0x70] =	vst v30  }
0xb2: {  	s1 =	sadd.s32 s31, s10;
	s31 =	sor.u32 s8, s10;
	v30 =	vld.idx.msk [tilespmem:v61+s11+$0x0], $0xffff;
	[tilespmem:s5+$0x40] =	vst v31;
	v31 =	vor.u32 v9, v22  }
0xb3: {  	v32 =	vld.idx.msk [tilespmem:v58+s11+$0x0], $0xffff;
	v63 =	vor.u32 v9, v24;
	[tilespmem:s31+$0x0] =	vst v28  }
0xb4: {  	s21 =	sand.u32 $0x200, s7;
	v20 =	vld.idx.msk [tilespmem:v20+s11+$0x0], $0xffff;
	s12 =	sadd.s32 $0xFFFFFF80, s12;
	[tilespmem:s28+$0x40] =	vst v27;
	v27 =	vor.u32 v9, v19  }
0xb5: {  	v36 =	vor.u32 v12, v16;
	s12 =	sand.u32 $0x300, s12;
	s8 =	sor.u32 s21, s10;
	v26 =	vld.idx.msk [tilespmem:v26+s11+$0x0], $0xffff;
	[tilespmem:s1+$0x0] =	vst v62  }
0xb6: {  	v37 =	vor.u32 v13, v17;
	s22 =	sadd.s32 s12, s10;
	[tilespmem:s8+$0x0] =	vst v23;
	v28 =	vld.idx.msk [tilespmem:v29+s11+$0x0], $0xffff  }
0xb7: {  	v29 =	vld.idx.msk [tilespmem:v31+s11+$0x0], $0xffff;
	[tilespmem:s22+$0x0] =	vst v30;
	v30 =	vor.u32 v10, v25  }
0xb8: {  	v23 =	vor.u32 v10, v22;
	[tilespmem:s30+$0x40] =	vst v32;
	v31 =	vld.idx.msk [tilespmem:v63+s11+$0x0], $0xffff  }
0xb9: {  	[tilespmem:s26+$0x70] =	vst v20;
	v20 =	vld.idx.msk [tilespmem:v27+s11+$0x0], $0xffff;
	v27 =	vor.u32 v10, v24  }
0xba: {  	v38 =	vld.idx.msk [tilespmem:v36+s11+$0x0], $0xffff;
	[tilespmem:s5+$0x50] =	vst v26;
	v26 =	vor.u32 v10, v19  }
0xbb: {  	v39 =	vor.u32 v14, v21;
	v33 =	vld.idx.msk [tilespmem:v37+s11+$0x0], $0xffff;
	[tilespmem:s1+$0x10] =	vst v28  }
0xbc: {  	v28 =	vor.u32 v13, v18;
	[tilespmem:s31+$0x10] =	vst v29;
	v29 =	vld.idx.msk [tilespmem:v30+s11+$0x0], $0xffff  }
0xbd: {  	v23 =	vld.idx.msk [tilespmem:v23+s11+$0x0], $0xffff;
	[tilespmem:s22+$0x10] =	vst v31;
	v30 =	vor.u32 v11, v25  }
0xbe: {  	[tilespmem:s8+$0x10] =	vst v20;
	v20 =	vor.u32 v11, v22;
	v27 =	vld.idx.msk [tilespmem:v27+s11+$0x0], $0xffff  }
0xbf: {  	[tilespmem:s25+$0x40] =	vst v38;
	v31 =	vor.u32 v11, v24;
	v26 =	vld.idx.msk [tilespmem:v26+s11+$0x0], $0xffff  }
0xc0: {  	v41 =	vor.u32 v11, v19;
	[tilespmem:s30+$0x50] =	vst v33;
	v40 =	vld.idx.msk [tilespmem:v39+s11+$0x0], $0xffff  }
0xc1: {  	v42 =	vor.u32 v13, v16;
	v28 =	vld.idx.msk [tilespmem:v28+s11+$0x0], $0xffff;
	[tilespmem:s1+$0x20] =	vst v29  }
0xc2: {  	v21 =	vor.u32 v15, v21;
	[tilespmem:s31+$0x20] =	vst v23;
	v23 =	vld.idx.msk [tilespmem:v30+s11+$0x0], $0xffff  }
0xc3: {  	v20 =	vld.idx.msk [tilespmem:v20+s11+$0x0], $0xffff;
	[tilespmem:s22+$0x20] =	vst v27;
	v27 =	vor.u32 v12, v25  }
0xc4: {  	[tilespmem:s8+$0x20] =	vst v26;
	v26 =	vor.u32 v12, v22;
	v29 =	vld.idx.msk [tilespmem:v31+s11+$0x0], $0xffff  }
0xc5: {  	[tilespmem:s5+$0x60] =	vst v40;
	v30 =	vld.idx.msk [tilespmem:v41+s11+$0x0], $0xffff;
	v31 =	vor.u32 v12, v24  }
0xc6: {  	v43 =	vld.idx.msk [tilespmem:v42+s11+$0x0], $0xffff;
	[tilespmem:s28+$0x50] =	vst v28;
	v28 =	vor.u32 v12, v19  }
0xc7: {  	v44 =	vor.u32 v14, v17;
	v21 =	vld.idx.msk [tilespmem:v21+s11+$0x0], $0xffff;
	[tilespmem:s1+$0x30] =	vst v23  }
0xc8: {  	v23 =	vor.u32 v14, v18;
	[tilespmem:s31+$0x30] =	vst v20;
	v20 =	vld.idx.msk [tilespmem:v27+s11+$0x0], $0xffff  }
0xc9: {  	v26 =	vld.idx.msk [tilespmem:v26+s11+$0x0], $0xffff;
	[tilespmem:s22+$0x30] =	vst v29;
	v27 =	vor.u32 v13, v25  }
0xca: {  	[tilespmem:s8+$0x30] =	vst v30;
	v30 =	vor.u32 v13, v22;
	v29 =	vld.idx.msk [tilespmem:v31+s11+$0x0], $0xffff  }
0xcb: {  	[tilespmem:s25+$0x50] =	vst v43;
	v31 =	vor.u32 v13, v24;
	v28 =	vld.idx.msk [tilespmem:v28+s11+$0x0], $0xffff  }
0xcc: {  	v45 =	vld.idx.msk [tilespmem:v44+s11+$0x0], $0xffff;
	[tilespmem:s5+$0x70] =	vst v21;
	v21 =	vor.u32 v13, v19  }
0xcd: {  	v17 =	vor.u32 v15, v17;
	v23 =	vld.idx.msk [tilespmem:v23+s11+$0x0], $0xffff;
	[tilespmem:s1+$0x40] =	vst v20  }
0xce: {  	v46 =	vor.u32 v14, v16;
	[tilespmem:s31+$0x40] =	vst v26;
	v20 =	vld.idx.msk [tilespmem:v27+s11+$0x0], $0xffff  }
0xcf: {  	v26 =	vld.idx.msk [tilespmem:v30+s11+$0x0], $0xffff;
	[tilespmem:s22+$0x40] =	vst v29;
	v27 =	vor.u32 v14, v25  }
0xd0: {  	v30 =	vor.u32 v14, v22;
	v29 =	vld.idx.msk [tilespmem:v31+s11+$0x0], $0xffff;
	[tilespmem:s8+$0x40] =	vst v28  }
0xd1: {  	[tilespmem:s30+$0x60] =	vst v45;
	v28 =	vor.u32 v14, v24;
	v21 =	vld.idx.msk [tilespmem:v21+s11+$0x0], $0xffff  }
0xd2: {  	v17 =	vld.idx.msk [tilespmem:v17+s11+$0x0], $0xffff;
	[tilespmem:s28+$0x60] =	vst v23;
	v23 =	vor.u32 v14, v19  }
0xd3: {  	v18 =	vor.u32 v15, v18;
	v31 =	vld.idx.msk [tilespmem:v46+s11+$0x0], $0xffff;
	[tilespmem:s1+$0x50] =	vst v20  }
0xd4: {  	v16 =	vor.u32 v15, v16;
	[tilespmem:s31+$0x50] =	vst v26;
	v20 =	vld.idx.msk [tilespmem:v27+s11+$0x0], $0xffff  }
0xd5: {  	v25 =	vor.u32 v15, v25;
	v26 =	vld.idx.msk [tilespmem:v30+s11+$0x0], $0xffff;
	[tilespmem:s22+$0x50] =	vst v29  }
0xd6: {  	v22 =	vor.u32 v15, v22;
	[tilespmem:s8+$0x50] =	vst v21;
	v21 =	vld.idx.msk [tilespmem:v28+s11+$0x0], $0xffff  }
0xd7: {  	[tilespmem:s30+$0x70] =	vst v17;
	v24 =	vor.u32 v15, v24;
	v23 =	vld.idx.msk [tilespmem:v23+s11+$0x0], $0xffff  }
0xd8: {  	v17 =	vor.u32 v15, v19;
	v18 =	vld.idx.msk [tilespmem:v18+s11+$0x0], $0xffff;
	[tilespmem:s25+$0x60] =	vst v31  }
0xd9: {  	v16 =	vld.idx.msk [tilespmem:v16+s11+$0x0], $0xffff;
	[tilespmem:s1+$0x60] =	vst v20  }
0xda: {  	[tilespmem:s31+$0x60] =	vst v26;
	v19 =	vld.idx.msk [tilespmem:v25+s11+$0x0], $0xffff  }
0xdb: {  	v20 =	vld.idx.msk [tilespmem:v22+s11+$0x0], $0xffff;
	[tilespmem:s22+$0x60] =	vst v21  }
0xdc: {  	v21 =	vld.idx.msk [tilespmem:v24+s11+$0x0], $0xffff;
	[tilespmem:s8+$0x60] =	vst v23  }
0xdd: {  	[tilespmem:s28+$0x70] =	vst v18;
	v17 =	vld.idx.msk [tilespmem:v17+s11+$0x0], $0xffff  }
0xde: {  	[tilespmem:s25+$0x70] =	vst v16  }
0xdf: {  	s25 =	sshll.u32 s23, $0x12;
	[tilespmem:s1+$0x70] =	vst v19  }
0xe0: {  	s0 =	sor.u32 s6, s25;
	[tilespmem:s31+$0x70] =	vst v20  }
0xe1: {  	s0 =	sshrl.u32 s0, $0x3;
	[tilespmem:s22+$0x70] =	vst v21  }
0xe2: {  	p0 =	seq.s32 s23, $0x63;
	s0 =	sadd.s32 s2, s0;
	[tilespmem:s8+$0x70] =	vst v17  }
0xe3: {  	[hbm4b:s0+s15] =	stream.strided.scatter [tilespmem:s17], [sflag:$0x3], $0x1000, s16, s15, $0x38;
	[tilespmem:$0xA500] =	vst v63  }
0xe4: {  	s0 =	sadd.s32 @!p0 $0x2, s29  }
0xe5: {  	v16 =	vmov @!p0 s0;
	v17 =	vadd.s32 @!p0 s0, v0  }
0xe6: {  	v17 =	vand.u32 @!p0 $0x1FF8, v17;
	v16 =	vand.u32 @!p0 $0x6, v16  }
0xe7: {  	v17 =	vor.u32 @!p0 v16, v17;
	_ =	sdelay $0x4  }
0xe8: {  	v18 =	vadd.s32 @!p0 s0, v1;
	v17 =	vld.idx.msk @!p0 [tilespmem:v17+s3+$0x0], $0xffff  }
0xe9: {  	v18 =	vand.u32 @!p0 $0x3FF8, v18  }
0xea: {  	v18 =	vor.u32 @!p0 v16, v18;
	_ =	sdelay $0x2  }
0xeb: {  	v17 =	vshll.u32 @!p0 v17, $0x2  }
0xec: {  	[tilespmem:$0x6400] =	vst @!p0 v17  }
0xed: {  	v17 =	vld.idx.msk @!p0 [tilespmem:v18+s3+$0x0], $0xffff;
	v18 =	vadd.s32 @!p0 s0, v2  }
0xee: {  	v18 =	vand.u32 @!p0 $0x7FF8, v18  }
0xef: {  	v18 =	vor.u32 @!p0 v16, v18;
	_ =	sdelay $0x2  }
0xf0: {  	v17 =	vshll.u32 @!p0 v17, $0x2  }
0xf1: {  	[tilespmem:$0x6410] =	vst @!p0 v17  }
0xf2: {  	v17 =	vld.idx.msk @!p0 [tilespmem:v18+s3+$0x0], $0xffff;
	v18 =	vadd.s32 @!p0 s0, v4  }
0xf3: {  	v18 =	vand.u32 @!p0 $0x7FF8, v18  }
0xf4: {  	v18 =	vor.u32 @!p0 v16, v18;
	_ =	sdelay $0x2  }
0xf5: {  	v17 =	vshll.u32 @!p0 v17, $0x2  }
0xf6: {  	[tilespmem:$0x6420] =	vst @!p0 v17  }
0xf7: {  	v17 =	vld.idx.msk @!p0 [tilespmem:v18+s3+$0x0], $0xffff;
	v18 =	vadd.s32 @!p0 s0, v5  }
0xf8: {  	v18 =	vand.u32 @!p0 $0x7FF8, v18  }
0xf9: {  	v18 =	vor.u32 @!p0 v16, v18;
	_ =	sdelay $0x2  }
0xfa: {  	v17 =	vshll.u32 @!p0 v17, $0x2  }
0xfb: {  	[tilespmem:$0x6430] =	vst @!p0 v17  }
0xfc: {  	v17 =	vld.idx.msk @!p0 [tilespmem:v18+s3+$0x0], $0xffff;
	v18 =	vadd.s32 @!p0 s0, v6  }
0xfd: {  	v18 =	vand.u32 @!p0 $0xFFF8, v18  }
0xfe: {  	v18 =	vor.u32 @!p0 v16, v18;
	_ =	sdelay $0x2  }
0xff: {  	v17 =	vshll.u32 @!p0 v17, $0x2  }
0x100: {  	[tilespmem:$0x6440] =	vst @!p0 v17  }
0x101: {  	v17 =	vld.idx.msk @!p0 [tilespmem:v18+s3+$0x0], $0xffff;
	v18 =	vadd.s32 @!p0 s0, v7  }
0x102: {  	v18 =	vand.u32 @!p0 $0x7FF8, v18  }
0x103: {  	v18 =	vor.u32 @!p0 v16, v18;
	_ =	sdelay $0x2  }
0x104: {  	v17 =	vshll.u32 @!p0 v17, $0x2  }
0x105: {  	[tilespmem:$0x6450] =	vst @!p0 v17  }
0x106: {  	v17 =	vld.idx.msk @!p0 [tilespmem:v18+s3+$0x0], $0xffff;
	v18 =	vadd.s32 @!p0 s0, v8  }
0x107: {  	v18 =	vand.u32 @!p0 $0xFFF8, v18  }
0x108: {  	v16 =	vor.u32 @!p0 v16, v18;
	_ =	sdelay $0x2  }
0x109: {  	v17 =	vshll.u32 @!p0 v17, $0x2  }
0x10a: {  	[tilespmem:$0x6460] =	vst @!p0 v17  }
0x10b: {  	v16 =	vld.idx.msk @!p0 [tilespmem:v16+s3+$0x0], $0xffff;
	_ =	sdelay $0x3  }
0x10c: {  	s31 =	simm.s32 $0x1  }
0x10d: {  	s26 =	simm.s32 $0x3;
	v17 =	vmov s31;
	v16 =	vshll.u32 @!p0 v16, $0x2  }
0x10e: {  	s5 =	simm.s32 $0x2;
	v17 =	vand.u32 $0x1D, v17;
	[tilespmem:$0x6470] =	vst @!p0 v16;
	v16 =	vmov s26  }
0x10f: {  	s7 =	simm.s32 $0x0;
	v18 =	vmov s5;
	v25 =	vbroadcast v17, $0x0;
	_ =	swait.ge @!p0 [sflag:s20], $0x1000;
	v16 =	vand.u32 $0x1F, v16  }
0x110: {  	v17 =	vmov s7;
	[sflag:s20] =	ssyncset.done @!p0 $0x0;
	v22 =	vbroadcast v16, $0x0;
	v16 =	vand.u32 $0x1E, v18  }
0x111: {  	s0 =	simm.s32 @!p0 $0x6400;
	v17 =	vand.u32 $0x1C, v17;
	v18 =	vor.u32 v3, v25;
	[sflag:s20] =	ssyncadd.s32 @!p0 $0xFFFFF000;
	v24 =	vbroadcast v16, $0x0  }
0x112: {  	v20 =	vbroadcast v17, $0x0;
	[tilespmem:s11], [sflag:$0x1] =	stream.indirect.gather @!p0 [hbm4b:s4+s9], $0x20, s0, s9, $0xb8;
	v16 =	vor.u32 v3, v22;
	[tilespmem:$0xA500] =	vst v63  }
0x113: {  	_ =	swait.ge [sflag:s18], $0x1000;
	v17 =	vor.u32 v3, v24  }
0x114: {  	v19 =	vor.u32 v3, v20;
	[sflag:s18] =	ssyncset.done $0x0  }
0x115: {  	[sflag:s18] =	ssyncadd.s32 $0xFFFFF000  }
0x116: {  	v18 =	vld.idx.msk [tilespmem:v18+s13+$0x0], $0xffff  }
0x117: {  	s8 =	simm.s32 $0x0;
	v23 =	vor.u32 v9, v25;
	v16 =	vld.idx.msk [tilespmem:v16+s13+$0x0], $0xffff  }
0x118: {  	s22 =	simm.s32 $0x80;
	s21 =	sand.u32 $0xC00, s8;
	v21 =	vor.u32 v9, v22;
	v17 =	vld.idx.msk [tilespmem:v17+s13+$0x0], $0xffff  }
0x119: {  	s12 =	simm.s32 $0x180;
	s25 =	sadd.s32 $0x9500, s21;
	s7 =	sand.u32 $0x280, s22;
	v26 =	vor.u32 v9, v24;
	v19 =	vld.idx.msk [tilespmem:v19+s13+$0x0], $0xffff  }
0x11a: {  	s1 =	sor.u32 s7, s25;
	v27 =	vor.u32 v9, v20;
	s26 =	simm.s32 $0x100;
	s0 =	sand.u32 $0x380, s12  }
0x11b: {  	s31 =	sand.u32 $0x300, s26;
	s0 =	sadd.s32 s0, s25;
	[tilespmem:s1+$0x0] =	vst v18  }
0x11c: {  	s5 =	sand.u32 $0x200, s8;
	s30 =	sadd.s32 s31, s25;
	[tilespmem:s0+$0x0] =	vst v16;
	v18 =	vld.idx.msk [tilespmem:v23+s13+$0x0], $0xffff  }
0x11d: {  	s26 =	sor.u32 s5, s25;
	v23 =	vor.u32 v10, v25;
	v16 =	vld.idx.msk [tilespmem:v21+s13+$0x0], $0xffff;
	[tilespmem:s30+$0x0] =	vst v17  }
0x11e: {  	[tilespmem:s26+$0x0] =	vst v19;
	v17 =	vor.u32 v10, v22;
	v21 =	vld.idx.msk [tilespmem:v26+s13+$0x0], $0xffff  }
0x11f: {  	v19 =	vor.u32 v10, v24;
	v26 =	vld.idx.msk [tilespmem:v27+s13+$0x0], $0xffff  }
0x120: {  	v27 =	vor.u32 v10, v20  }
0x121: {  	[tilespmem:s1+$0x10] =	vst v18  }
0x122: {  	s10 =	simm.s32 $0x4;
	[tilespmem:s0+$0x10] =	vst v16;
	v23 =	vld.idx.msk [tilespmem:v23+s13+$0x0], $0xffff  }
0x123: {  	v28 =	vor.u32 v11, v25;
	s12 =	simm.s32 $0x5;
	v16 =	vmov s10;
	v18 =	vld.idx.msk [tilespmem:v17+s13+$0x0], $0xffff;
	[tilespmem:s30+$0x10] =	vst v21  }
0x124: {  	v16 =	vand.u32 $0x1C, v16;
	v21 =	vor.u32 v11, v22;
	v17 =	vmov s12;
	[tilespmem:s26+$0x10] =	vst v26;
	v19 =	vld.idx.msk [tilespmem:v19+s13+$0x0], $0xffff  }
0x125: {  	v26 =	vor.u32 v11, v24;
	v16 =	vbroadcast v16, $0x0;
	v17 =	vand.u32 $0x1D, v17;
	v27 =	vld.idx.msk [tilespmem:v27+s13+$0x0], $0xffff  }
0x126: {  	v30 =	vor.u32 v11, v20;
	v17 =	vbroadcast v17, $0x0  }
0x127: {  	s21 =	simm.s32 $0x7;
	v29 =	vor.u32 v3, v16;
	[tilespmem:s1+$0x20] =	vst v23  }
0x128: {  	v31 =	vor.u32 v3, v17;
	[tilespmem:s0+$0x20] =	vst v18;
	v18 =	vmov s21;
	v28 =	vld.idx.msk [tilespmem:v28+s13+$0x0], $0xffff  }
0x129: {  	s22 =	simm.s32 $0x6;
	v47 =	vor.u32 v12, v25;
	v23 =	vld.idx.msk [tilespmem:v21+s13+$0x0], $0xffff;
	[tilespmem:s30+$0x20] =	vst v19;
	v18 =	vand.u32 $0x1F, v18  }
0x12a: {  	v48 =	vmov s22;
	v19 =	vor.u32 v12, v22;
	[tilespmem:s26+$0x20] =	vst v27;
	v26 =	vld.idx.msk [tilespmem:v26+s13+$0x0], $0xffff;
	v21 =	vbroadcast v18, $0x0  }
0x12b: {  	v27 =	vor.u32 v12, v24;
	v18 =	vand.u32 $0x1E, v48;
	v30 =	vld.idx.msk [tilespmem:v30+s13+$0x0], $0xffff  }
0x12c: {  	v29 =	vld.idx.msk [tilespmem:v29+s13+$0x0], $0xffff;
	v18 =	vbroadcast v18, $0x0;
	v49 =	vor.u32 v3, v21  }
0x12d: {  	s7 =	simm.s32 $0x380;
	s10 =	simm.s32 $0x200;
	v58 =	vor.u32 v9, v16;
	v31 =	vld.idx.msk [tilespmem:v31+s13+$0x0], $0xffff;
	[tilespmem:s1+$0x30] =	vst v28  }
0x12e: {  	s8 =	simm.s32 $0x8;
	s22 =	sand.u32 $0x380, s7;
	s25 =	sand.u32 $0xC00, s10;
	v50 =	vor.u32 v3, v18;
	[tilespmem:s0+$0x30] =	vst v23;
	v32 =	vld.idx.msk [tilespmem:v47+s13+$0x0], $0xffff  }
0x12f: {  	s10 =	sand.u32 $0x200, s10;
	s21 =	sadd.s32 $0x9500, s25;
	s25 =	simm.s32 $0x300;
	v23 =	vor.u32 v12, v20;
	v28 =	vld.idx.msk [tilespmem:v19+s13+$0x0], $0xffff;
	[tilespmem:s30+$0x30] =	vst v26  }
0x130: {  	s5 =	sadd.s32 s22, s21;
	s22 =	sand.u32 $0x300, s25;
	s25 =	sor.u32 s10, s21;
	v19 =	vmov s8;
	v26 =	vor.u32 v13, v22;
	[tilespmem:s26+$0x30] =	vst v30;
	v27 =	vld.idx.msk [tilespmem:v27+s13+$0x0], $0xffff  }
0x131: {  	v51 =	vor.u32 v13, v25;
	v19 =	vand.u32 $0x1C, v19;
	[tilespmem:s25+$0x0] =	vst v29;
	v30 =	vld.idx.msk [tilespmem:v49+s13+$0x0], $0xffff  }
0x132: {  	v52 =	vor.u32 v13, v24;
	v19 =	vbroadcast v19, $0x0;
	v36 =	vld.idx.msk [tilespmem:v58+s13+$0x0], $0xffff  }
0x133: {  	v55 =	vor.u32 v9, v21;
	v34 =	vld.idx.msk [tilespmem:v50+s13+$0x0], $0xffff  }
0x134: {  	v53 =	vor.u32 v3, v19;
	v54 =	vld.idx.msk [tilespmem:v23+s13+$0x0], $0xffff;
	[tilespmem:s0+$0x40] =	vst v28  }
0x135: {  	s31 =	simm.s32 $0x280;
	[tilespmem:s1+$0x40] =	vst v32;
	v28 =	vor.u32 v9, v17;
	v26 =	vld.idx.msk [tilespmem:v26+s13+$0x0], $0xffff  }
0x136: {  	v57 =	vor.u32 v14, v22;
	s12 =	sand.u32 $0x280, s31;
	v35 =	vld.idx.msk [tilespmem:v51+s13+$0x0], $0xffff;
	[tilespmem:s30+$0x40] =	vst v27  }
0x137: {  	s29 =	sor.u32 s12, s21;
	v56 =	vor.u32 v9, v18;
	v27 =	vld.idx.msk [tilespmem:v52+s13+$0x0], $0xffff;
	[tilespmem:s5+$0x0] =	vst v30  }
0x138: {  	[tilespmem:s29+$0x0] =	vst v31;
	v31 =	vor.u32 v13, v20;
	v30 =	vld.idx.msk [tilespmem:v55+s13+$0x0], $0xffff  }
0x139: {  	v59 =	vor.u32 v14, v25;
	[tilespmem:s25+$0x10] =	vst v36;
	v23 =	vld.idx.msk [tilespmem:v53+s13+$0x0], $0xffff  }
0x13a: {  	s28 =	sadd.s32 s22, s21;
	v60 =	vor.u32 v10, v21;
	v28 =	vld.idx.msk [tilespmem:v28+s13+$0x0], $0xffff;
	[tilespmem:s0+$0x50] =	vst v26  }
0x13b: {  	v29 =	vor.u32 v10, v17;
	[tilespmem:s28+$0x0] =	vst v34;
	v33 =	vld.idx.msk [tilespmem:v57+s13+$0x0], $0xffff  }
0x13c: {  	v22 =	vor.u32 v15, v22;
	v32 =	vld.idx.msk [tilespmem:v56+s13+$0x0], $0xffff;
	[tilespmem:s26+$0x40] =	vst v54  }
0x13d: {  	v39 =	vor.u32 v10, v18;
	v31 =	vld.idx.msk [tilespmem:v31+s13+$0x0], $0xffff;
	[tilespmem:s1+$0x50] =	vst v35  }
0x13e: {  	v61 =	vor.u32 v10, v16;
	v26 =	vld.idx.msk [tilespmem:v59+s13+$0x0], $0xffff;
	[tilespmem:s5+$0x10] =	vst v30  }
0x13f: {  	v63 =	vor.u32 v14, v20;
	s31 =	simm.s32 $0x9;
	[tilespmem:s29+$0x10] =	vst v28;
	v28 =	vld.idx.msk [tilespmem:v60+s13+$0x0], $0xffff  }
0x140: {  	v30 =	vor.u32 v14, v24;
	v62 =	vld.idx.msk [tilespmem:v29+s13+$0x0], $0xffff;
	v29 =	vmov s31;
	[tilespmem:s0+$0x60] =	vst v33  }
0x141: {  	v40 =	vor.u32 v11, v21;
	[tilespmem:s28+$0x10] =	vst v32;
	v36 =	vld.idx.msk [tilespmem:v22+s13+$0x0], $0xffff;
	v22 =	vand.u32 $0x1D, v29  }
0x142: {  	v41 =	vor.u32 v11, v17;
	[tilespmem:s30+$0x50] =	vst v27;
	v39 =	vld.idx.msk [tilespmem:v39+s13+$0x0], $0xffff;
	v22 =	vbroadcast v22, $0x0  }
0x143: {  	v37 =	vor.u32 v11, v18;
	v32 =	vld.idx.msk [tilespmem:v61+s13+$0x0], $0xffff;
	[tilespmem:s26+$0x50] =	vst v31  }
0x144: {  	v27 =	vld.idx.msk [tilespmem:v63+s13+$0x0], $0xffff;
	[tilespmem:s5+$0x20] =	vst v28;
	v28 =	vor.u32 v3, v22  }
0x145: {  	v34 =	vor.u32 v11, v16;
	v29 =	vld.idx.msk [tilespmem:v30+s13+$0x0], $0xffff  }
0x146: {  	v33 =	vor.u32 v15, v25;
	[tilespmem:s29+$0x20] =	vst v62;
	v30 =	vld.idx.msk [tilespmem:v40+s13+$0x0], $0xffff  }
0x147: {  	s22 =	simm.s32 $0xB;
	s21 =	simm.s32 $0xC;
	v35 =	vor.u32 v15, v24;
	[tilespmem:s28+$0x20] =	vst v39;
	v31 =	vld.idx.msk [tilespmem:v41+s13+$0x0], $0xffff  }
.LBB2_5:
0x148: {  	p0 =	slt.u32 s21, $0x1C;
	v24 =	vmov s22;
	v25 =	vld.idx.msk [tilespmem:v37+s13+$0x0], $0xffff;
	v37 =	vor.u32 v12, v21;
	[tilespmem:s0+$0x70] =	vst v36;
	s0 =	smov.u32 s5  }
0x149: {  	s5 =	sadd.s32 $0x2, s8;
	s8 =	smov.u32 s21;
	v28 =	vld.idx.msk [tilespmem:v28+s13+$0x0], $0xffff;
	v24 =	vand.u32 $0x1F, v24;
	[tilespmem:s25+$0x20] =	vst v32;
	v32 =	vor.u32 v12, v17  }
0x14a: {  	v39 =	vor.u32 v12, v18;
	v36 =	vmov s5;
	v38 =	vbroadcast v24, $0x0;
	v34 =	vld.idx.msk [tilespmem:v34+s13+$0x0], $0xffff;
	[tilespmem:s1+$0x60] =	vst v26  }
0x14b: {  	v24 =	vand.u32 $0x1E, v36;
	v26 =	vor.u32 v15, v20;
	v20 =	vmovc v16;
	v16 =	vmov v19;
	v33 =	vld.idx.msk [tilespmem:v33+s13+$0x0], $0xffff;
	[tilespmem:s30+$0x60] =	vst v29  }
0x14c: {  	v24 =	vbroadcast v24, $0x0;
	v29 =	vor.u32 v3, v38;
	[tilespmem:s0+$0x30] =	vst v30;
	v30 =	vld.idx.msk [tilespmem:v35+s13+$0x0], $0xffff  }
0x14d: {  	v35 =	vor.u32 v12, v20;
	[tilespmem:s29+$0x30] =	vst v31;
	v31 =	vld.idx.msk [tilespmem:v37+s13+$0x0], $0xffff  }
0x14e: {  	v19 =	vmov s21;
	v36 =	vor.u32 v3, v24;
	v32 =	vld.idx.msk [tilespmem:v32+s13+$0x0], $0xffff;
	[tilespmem:s28+$0x30] =	vst v25  }
0x14f: {  	v19 =	vand.u32 $0x1C, v19;
	v37 =	vor.u32 v13, v21;
	v25 =	vld.idx.msk [tilespmem:v39+s13+$0x0], $0xffff;
	[tilespmem:s26+$0x60] =	vst v27  }
0x150: {  	v19 =	vbroadcast v19, $0x0;
	v27 =	vor.u32 v13, v17;
	[tilespmem:s25+$0x30] =	vst v34;
	v26 =	vld.idx.msk [tilespmem:v26+s13+$0x0], $0xffff  }
0x151: {  	v34 =	vor.u32 v13, v18;
	v29 =	vld.idx.msk [tilespmem:v29+s13+$0x0], $0xffff;
	[tilespmem:s1+$0x70] =	vst v33;
	s1 =	smov.u32 s29  }
0x152: {  	s7 =	sadd.s32 $0x200, s7;
	v33 =	vor.u32 v3, v19;
	v35 =	vld.idx.msk [tilespmem:v35+s13+$0x0], $0xffff;
	[tilespmem:s30+$0x70] =	vst v30;
	s30 =	smov.u32 s28  }
0x153: {  	s5 =	sadd.s32 $0xFFFFFE80, s7;
	s10 =	sadd.s32 $0xFFFFFF00, s7;
	s12 =	sadd.s32 $0xFFFFFF80, s7;
	v30 =	vld.idx.msk [tilespmem:v36+s13+$0x0], $0xffff;
	v36 =	vor.u32 v9, v38;
	[tilespmem:s0+$0x40] =	vst v31  }
0x154: {  	s22 =	sand.u32 $0x200, s5;
	s5 =	sand.u32 $0xC00, s5;
	s10 =	sand.u32 $0x280, s10;
	v31 =	vor.u32 v9, v22;
	[tilespmem:s1+$0x40] =	vst v32;
	v32 =	vld.idx.msk [tilespmem:v37+s13+$0x0], $0xffff  }
0x155: {  	s12 =	sand.u32 $0x300, s12;
	s28 =	sadd.s32 $0x9500, s5;
	s5 =	sand.u32 $0x380, s7;
	v37 =	vor.u32 v9, v24;
	v27 =	vld.idx.msk [tilespmem:v27+s13+$0x0], $0xffff;
	[tilespmem:s30+$0x40] =	vst v25  }
0x156: {  	s22 =	sor.u32 s22, s28;
	s29 =	sor.u32 s10, s28;
	s5 =	sadd.s32 s5, s28;
	v25 =	vld.idx.msk [tilespmem:v34+s13+$0x0], $0xffff;
	v34 =	vor.u32 v14, v21;
	[tilespmem:s26+$0x70] =	vst v26  }
0x157: {  	s28 =	sadd.s32 s12, s28;
	s26 =	smov.u32 s25;
	s25 =	smov.u32 s22;
	v26 =	vld.idx.msk [tilespmem:v33+s13+$0x0], $0xffff;
	v33 =	vor.u32 v9, v16;
	[tilespmem:s5+$0x0] =	vst v29  }
0x158: {  	v29 =	vor.u32 v13, v20;
	[tilespmem:s29+$0x0] =	vst v28;
	v28 =	vld.idx.msk [tilespmem:v36+s13+$0x0], $0xffff  }
0x159: {  	v31 =	vld.idx.msk [tilespmem:v31+s13+$0x0], $0xffff;
	[tilespmem:s28+$0x0] =	vst v30;
	v30 =	vor.u32 v14, v17  }
0x15a: {  	v36 =	vld.idx.msk [tilespmem:v37+s13+$0x0], $0xffff;
	v37 =	vor.u32 v10, v38;
	[tilespmem:s0+$0x50] =	vst v32  }
0x15b: {  	v32 =	vor.u32 v10, v22;
	[tilespmem:s25+$0x0] =	vst v23;
	v34 =	vld.idx.msk [tilespmem:v34+s13+$0x0], $0xffff  }
0x15c: {  	v39 =	vor.u32 v10, v24;
	v33 =	vld.idx.msk [tilespmem:v33+s13+$0x0], $0xffff;
	[tilespmem:s26+$0x40] =	vst v35  }
0x15d: {  	v23 =	vmov v26;
	v29 =	vld.idx.msk [tilespmem:v29+s13+$0x0], $0xffff;
	[tilespmem:s1+$0x50] =	vst v27;
	v27 =	vor.u32 v15, v21;
	v21 =	vmov v38  }
0x15e: {  	v35 =	vor.u32 v10, v16;
	[tilespmem:s5+$0x10] =	vst v28;
	v26 =	vld.idx.msk [tilespmem:v30+s13+$0x0], $0xffff  }
0x15f: {  	s10 =	sadd.s32 $0x1, s21;
	[tilespmem:s29+$0x10] =	vst v31;
	v30 =	vld.idx.msk [tilespmem:v37+s13+$0x0], $0xffff;
	v31 =	vor.u32 v14, v18  }
0x160: {  	v40 =	vor.u32 v14, v20;
	v28 =	vmov s10;
	v38 =	vld.idx.msk [tilespmem:v32+s13+$0x0], $0xffff;
	[tilespmem:s28+$0x10] =	vst v36  }
0x161: {  	v41 =	vor.u32 v11, v21;
	v28 =	vand.u32 $0x1D, v28;
	v39 =	vld.idx.msk [tilespmem:v39+s13+$0x0], $0xffff;
	[tilespmem:s0+$0x60] =	vst v34  }
0x162: {  	v43 =	vor.u32 v11, v22;
	v42 =	vbroadcast v28, $0x0;
	[tilespmem:s25+$0x10] =	vst v33;
	v36 =	vld.idx.msk [tilespmem:v27+s13+$0x0], $0xffff  }
.Ltmp1:
0x163: {  	v37 =	vor.u32 v11, v24;
	v32 =	vld.idx.msk [tilespmem:v35+s13+$0x0], $0xffff;
	[tilespmem:s30+$0x50] =	vst v25;
	(pc) =	sbr.rel @p0 .LBB2_5-.Ltmp1, $4  }
0x164: {  	v28 =	vor.u32 v3, v42;
	[tilespmem:s26+$0x50] =	vst v29;
	v29 =	vld.idx.msk [tilespmem:v31+s13+$0x0], $0xffff  }
0x165: {  	v34 =	vor.u32 v11, v16;
	[tilespmem:s5+$0x20] =	vst v30;
	v27 =	vld.idx.msk [tilespmem:v40+s13+$0x0], $0xffff  }
0x166: {  	v33 =	vor.u32 v15, v17;
	v17 =	vmov v22;
	v22 =	vmov v42;
	[tilespmem:s29+$0x20] =	vst v38;
	v30 =	vld.idx.msk [tilespmem:v41+s13+$0x0], $0xffff  }
0x167: {  	s21 =	sadd.s32 $0x4, s21;
	s22 =	sadd.s32 $0x3, s8;
	v35 =	vor.u32 v15, v18;
	v18 =	vmov v24;
	v31 =	vld.idx.msk [tilespmem:v43+s13+$0x0], $0xffff;
	[tilespmem:s28+$0x20] =	vst v39  }
0x168: {  	_ =	sdelay $0x1  }
0x169: {  	[tilespmem:s0+$0x70] =	vst v36  }
0x16a: {  	v54 =	vor.u32 v12, v21;
	[tilespmem:s25+$0x20] =	vst v32  }
0x16b: {  	v53 =	vld.idx.msk [tilespmem:v37+s13+$0x0], $0xffff;
	v55 =	vor.u32 v12, v17;
	[tilespmem:s1+$0x60] =	vst v26  }
0x16c: {  	v24 =	vmov s22;
	s12 =	sadd.s32 $0x2, s8;
	v56 =	vld.idx.msk [tilespmem:v34+s13+$0x0], $0xffff;
	[tilespmem:s30+$0x60] =	vst v29  }
0x16d: {  	v24 =	vand.u32 $0x1F, v24;
	v38 =	vmov s12;
	v59 =	vld.idx.msk [tilespmem:v33+s13+$0x0], $0xffff;
	[tilespmem:s26+$0x60] =	vst v27  }
0x16e: {  	v20 =	vor.u32 v15, v20;
	v25 =	vbroadcast v24, $0x0;
	v58 =	vand.u32 $0x1E, v38;
	v61 =	vld.idx.msk [tilespmem:v35+s13+$0x0], $0xffff;
	[tilespmem:s5+$0x30] =	vst v30  }
0x16f: {  	v57 =	vor.u32 v12, v18;
	v24 =	vbroadcast v58, $0x0;
	[tilespmem:s29+$0x30] =	vst v31;
	v62 =	vld.idx.msk [tilespmem:v54+s13+$0x0], $0xffff  }
0x170: {  	v60 =	vor.u32 v3, v25;
	[tilespmem:s28+$0x30] =	vst v53;
	v32 =	vld.idx.msk [tilespmem:v55+s13+$0x0], $0xffff  }
0x171: {  	s21 =	sadd.s32 $0x200, s7;
	v28 =	vld.idx.msk [tilespmem:v28+s13+$0x0], $0xffff;
	v63 =	vor.u32 v3, v24;
	[tilespmem:s25+$0x30] =	vst v56  }
0x172: {  	v44 =	vor.u32 v12, v16;
	s7 =	sadd.s32 $0xFFFFFE80, s21;
	[tilespmem:s1+$0x70] =	vst v59  }
0x173: {  	v38 =	vor.u32 v13, v21;
	s22 =	sand.u32 $0xC00, s7;
	v20 =	vld.idx.msk [tilespmem:v20+s13+$0x0], $0xffff;
	[tilespmem:s30+$0x70] =	vst v61;
	s30 =	sadd.s32 $0xFFFFFF00, s21  }
0x174: {  	v41 =	vor.u32 v9, v22;
	s31 =	sand.u32 $0x380, s21;
	s10 =	sadd.s32 $0x9500, s22;
	v37 =	vld.idx.msk [tilespmem:v57+s13+$0x0], $0xffff;
	s8 =	sand.u32 $0x280, s30;
	[tilespmem:s5+$0x40] =	vst v62  }
0x175: {  	v43 =	vor.u32 v9, v19;
	s12 =	sadd.s32 $0xFFFFFF80, s21;
	s22 =	sand.u32 $0x200, s7;
	v33 =	vld.idx.msk [tilespmem:v60+s13+$0x0], $0xffff;
	s21 =	sor.u32 s8, s10;
	[tilespmem:s29+$0x40] =	vst v32  }
0x176: {  	v39 =	vor.u32 v9, v25;
	s8 =	sor.u32 s22, s10;
	v40 =	vld.idx.msk [tilespmem:v63+s13+$0x0], $0xffff;
	[tilespmem:s21+$0x0] =	vst v28  }
0x177: {  	v42 =	vor.u32 v9, v24;
	v53 =	vld.idx.msk [tilespmem:v44+s13+$0x0], $0xffff;
	[tilespmem:s8+$0x0] =	vst v23  }
0x178: {  	v56 =	vor.u32 v13, v18;
	[tilespmem:s26+$0x70] =	vst v20;
	v26 =	vld.idx.msk [tilespmem:v38+s13+$0x0], $0xffff  }
0x179: {  	v45 =	vor.u32 v13, v17;
	s12 =	sand.u32 $0x300, s12;
	s1 =	sadd.s32 s31, s10;
	[tilespmem:s28+$0x40] =	vst v37;
	v47 =	vld.idx.msk [tilespmem:v41+s13+$0x0], $0xffff  }
0x17a: {  	v50 =	vor.u32 v10, v22;
	s30 =	sadd.s32 s12, s10;
	v51 =	vld.idx.msk [tilespmem:v43+s13+$0x0], $0xffff;
	[tilespmem:s1+$0x0] =	vst v33  }
0x17b: {  	v54 =	vor.u32 v10, v19;
	v46 =	vld.idx.msk [tilespmem:v39+s13+$0x0], $0xffff;
	[tilespmem:s30+$0x0] =	vst v40  }
0x17c: {  	v48 =	vor.u32 v10, v25;
	[tilespmem:s25+$0x40] =	vst v53;
	v49 =	vld.idx.msk [tilespmem:v42+s13+$0x0], $0xffff  }
0x17d: {  	v52 =	vor.u32 v10, v24;
	v28 =	vld.idx.msk [tilespmem:v56+s13+$0x0], $0xffff;
	[tilespmem:s5+$0x50] =	vst v26  }
0x17e: {  	v63 =	vor.u32 v13, v16;
	v33 =	vld.idx.msk [tilespmem:v45+s13+$0x0], $0xffff;
	[tilespmem:s21+$0x10] =	vst v47  }
0x17f: {  	v55 =	vor.u32 v14, v21;
	[tilespmem:s8+$0x10] =	vst v51;
	v23 =	vld.idx.msk [tilespmem:v50+s13+$0x0], $0xffff  }
0x180: {  	v59 =	vor.u32 v11, v22;
	v26 =	vld.idx.msk [tilespmem:v54+s13+$0x0], $0xffff;
	[tilespmem:s1+$0x10] =	vst v46  }
0x181: {  	v62 =	vor.u32 v11, v19;
	v57 =	vld.idx.msk [tilespmem:v48+s13+$0x0], $0xffff;
	[tilespmem:s30+$0x10] =	vst v49  }
0x182: {  	v58 =	vor.u32 v11, v25;
	[tilespmem:s28+$0x50] =	vst v28;
	v27 =	vld.idx.msk [tilespmem:v52+s13+$0x0], $0xffff  }
0x183: {  	v60 =	vor.u32 v11, v24;
	v43 =	vld.idx.msk [tilespmem:v63+s13+$0x0], $0xffff;
	[tilespmem:s29+$0x50] =	vst v33  }
0x184: {  	v45 =	vor.u32 v14, v17;
	v61 =	vld.idx.msk [tilespmem:v55+s13+$0x0], $0xffff;
	[tilespmem:s21+$0x20] =	vst v23  }
0x185: {  	v36 =	vor.u32 v15, v21;
	[tilespmem:s8+$0x20] =	vst v26;
	v20 =	vld.idx.msk [tilespmem:v59+s13+$0x0], $0xffff  }
0x186: {  	v40 =	vor.u32 v12, v22;
	v41 =	vld.idx.msk [tilespmem:v62+s13+$0x0], $0xffff;
	[tilespmem:s1+$0x20] =	vst v57  }
0x187: {  	v44 =	vor.u32 v12, v19;
	v37 =	vld.idx.msk [tilespmem:v58+s13+$0x0], $0xffff;
	[tilespmem:s30+$0x20] =	vst v27  }
0x188: {  	v38 =	vor.u32 v12, v25;
	[tilespmem:s25+$0x50] =	vst v43;
	v39 =	vld.idx.msk [tilespmem:v60+s13+$0x0], $0xffff  }
0x189: {  	v42 =	vor.u32 v12, v24;
	v51 =	vld.idx.msk [tilespmem:v45+s13+$0x0], $0xffff;
	[tilespmem:s5+$0x60] =	vst v61  }
0x18a: {  	v46 =	vor.u32 v14, v18;
	v21 =	vld.idx.msk [tilespmem:v36+s13+$0x0], $0xffff;
	[tilespmem:s21+$0x30] =	vst v20  }
0x18b: {  	v17 =	vor.u32 v15, v17;
	[tilespmem:s8+$0x30] =	vst v41;
	v26 =	vld.idx.msk [tilespmem:v40+s13+$0x0], $0xffff  }
0x18c: {  	v49 =	vor.u32 v13, v22;
	v28 =	vld.idx.msk [tilespmem:v44+s13+$0x0], $0xffff;
	[tilespmem:s1+$0x30] =	vst v37  }
0x18d: {  	v52 =	vor.u32 v13, v19;
	v47 =	vld.idx.msk [tilespmem:v38+s13+$0x0], $0xffff;
	[tilespmem:s30+$0x30] =	vst v39  }
0x18e: {  	v48 =	vor.u32 v13, v25;
	[tilespmem:s29+$0x60] =	vst v51;
	v29 =	vld.idx.msk [tilespmem:v42+s13+$0x0], $0xffff  }
0x18f: {  	v50 =	vor.u32 v13, v24;
	v23 =	vld.idx.msk [tilespmem:v46+s13+$0x0], $0xffff;
	[tilespmem:s5+$0x70] =	vst v21  }
0x190: {  	v17 =	vld.idx.msk [tilespmem:v17+s13+$0x0], $0xffff;
	[tilespmem:s21+$0x40] =	vst v26  }
0x191: {  	v53 =	vor.u32 v14, v16;
	[tilespmem:s8+$0x40] =	vst v28;
	v26 =	vld.idx.msk [tilespmem:v49+s13+$0x0], $0xffff  }
0x192: {  	v55 =	vor.u32 v14, v22;
	v21 =	vld.idx.msk [tilespmem:v52+s13+$0x0], $0xffff;
	[tilespmem:s1+$0x40] =	vst v47  }
0x193: {  	v58 =	vor.u32 v14, v19;
	v20 =	vld.idx.msk [tilespmem:v48+s13+$0x0], $0xffff;
	[tilespmem:s30+$0x40] =	vst v29  }
0x194: {  	v54 =	vor.u32 v14, v25;
	[tilespmem:s28+$0x60] =	vst v23;
	v29 =	vld.idx.msk [tilespmem:v50+s13+$0x0], $0xffff  }
0x195: {  	v56 =	vor.u32 v14, v24;
	[tilespmem:s29+$0x70] =	vst v17  }
0x196: {  	v59 =	vor.u32 v15, v18;
	v57 =	vld.idx.msk [tilespmem:v53+s13+$0x0], $0xffff;
	[tilespmem:s21+$0x50] =	vst v26  }
0x197: {  	v16 =	vor.u32 v15, v16;
	[tilespmem:s8+$0x50] =	vst v21;
	v26 =	vld.idx.msk [tilespmem:v55+s13+$0x0], $0xffff  }
0x198: {  	v61 =	vor.u32 v15, v22;
	v23 =	vld.idx.msk [tilespmem:v58+s13+$0x0], $0xffff;
	[tilespmem:s1+$0x50] =	vst v20  }
0x199: {  	v17 =	vor.u32 v15, v19;
	v20 =	vld.idx.msk [tilespmem:v54+s13+$0x0], $0xffff;
	[tilespmem:s30+$0x50] =	vst v29  }
0x19a: {  	v25 =	vor.u32 v15, v25;
	v60 =	vld.idx.msk [tilespmem:v56+s13+$0x0], $0xffff  }
0x19b: {  	v24 =	vor.u32 v15, v24;
	[tilespmem:s25+$0x60] =	vst v57;
	v18 =	vld.idx.msk [tilespmem:v59+s13+$0x0], $0xffff  }
0x19c: {  	v16 =	vld.idx.msk [tilespmem:v16+s13+$0x0], $0xffff;
	[tilespmem:s21+$0x60] =	vst v26  }
0x19d: {  	[tilespmem:s8+$0x60] =	vst v23;
	v63 =	vld.idx.msk [tilespmem:v61+s13+$0x0], $0xffff  }
0x19e: {  	v17 =	vld.idx.msk [tilespmem:v17+s13+$0x0], $0xffff;
	[tilespmem:s1+$0x60] =	vst v20  }
0x19f: {  	v62 =	vld.idx.msk [tilespmem:v25+s13+$0x0], $0xffff;
	[tilespmem:s30+$0x60] =	vst v60  }
0x1a0: {  	s23 =	sadd.s32 $0x1, s23;
	[tilespmem:s28+$0x70] =	vst v18;
	v21 =	vld.idx.msk [tilespmem:v24+s13+$0x0], $0xffff  }
0x1a1: {  	p0 =	sne.s32 s23, $0x64;
	[tilespmem:s25+$0x70] =	vst v16  }
.Ltmp2:
0x1a2: {  	s31 =	sshll.u32 s24, $0x11;
	[tilespmem:s21+$0x70] =	vst v63;
	(pc) =	sbr.rel @p0 .LBB2_2-.Ltmp2, $4  }
0x1a3: {  	s0 =	sor.u32 s6, s31;
	[tilespmem:s8+$0x70] =	vst v17  }
0x1a4: {  	s0 =	sshrl.u32 s0, $0x3;
	[tilespmem:s1+$0x70] =	vst v62  }
0x1a5: {  	s0 =	sadd.s32 s2, s0;
	[tilespmem:s30+$0x70] =	vst v21  }
0x1a6: {  	[hbm4b:s0+s15] =	stream.strided.scatter [tilespmem:s19], [sflag:$0x4], $0x1000, s16, s15, $0x38;
	[tilespmem:$0xA500] =	vst v63  }
0x1a7: {  	_ =	swait.ge [sflag:s20], $0x1000  }
0x1a8: {  	[sflag:s20] =	ssyncset.done $0x0  }
0x1a9: {  	s1 =	simm.s32 $0x4;
	[sflag:s20] =	ssyncadd.s32 $0xFFFFF000  }
0x1aa: {  	_ =	swait.ge [sflag:s1], $0x1000  }
0x1ab: {  	s5 =	rddreg [dreg:$0x5]  }
0x1ac: {  	s0 =	rddreg [dreg:$0x4];
	s5 =	sadd.s32 $0x1, s5  }
0x1ad: {  	p0 =	sne.s32 s5, s0  }
.Ltmp3:
0x1ae: {  	_ = 	snop;
	(pc) =	sbr.rel @p0 .LBB2_1-.Ltmp3, $3  }
0x1af: {  	_ =	sdelay $0x1  }
0x1b0: {  	[sflag:s1] =	ssyncset.done $0x0  }
0x1b1: {  	[sflag:s1] =	ssyncadd.s32 $0xFFFFF000  }
0x1b2: {  	_ =	sfence.sel $0x180000  }
0x1b3: {  	[bflag:$0x0] =	sbarrier.arrive $0xFFFF  }
0x1b4: {  	_ =	strace $0x9000004A  }
0x1b5: {  	s0 =	stileid.u32;
	[bflag:$0x2] =	sbarrier.arrive $0xFFFF  }
0x1b6: {  	p0 =	sne.s32 s0, $0x0;
	s0 =	rddreg [dreg:$0x2]  }
0x1b7: {  	s0 =	sadd.s32 @!p0 $0x100000, s0  }
0x1b8: {  	[sflag:s0] =	ssyncadd.tile.s32 @!p0 $0x1;
	_ =	shalt  }
.Lfunc_end2:
_tile_overlayer_lowered:
.L_overlay_start_2:
0x1b9: {  	(tag) =	ssettag $0x2  }
0x1ba: {  	s0 =	rddreg [dreg:$0x0];
	s2 =	stileid.u32  }
0x1bb: {  	s1 =	rddreg [dreg:$0x1];
	p0 =	sne.s32 s2, $0x0  }
0x1bc: {  	s3 =	rddreg [dreg:$0x2];
	[bflag:$0x3] =	sbarrier.arrive $0xFFFF;
	s2 =	simm.s32 @!p0 $0x1C05  }
0x1bd: {  	[timem:s3], [sflag:s2] =	dma.local @!p0 [hbm:s0], s1  }
0x1be: {  	s0 =	simm.s32 @!p0 $0x5  }
0x1bf: {  	_ =	swait.ge @!p0 [sflag:s0], s1  }
0x1c0: {  	s1 =	ssub.s32 @!p0 $0x0, s1;
	[sflag:s0] =	ssyncset.done @!p0 $0x0  }
0x1c1: {  	[sflag:s0] =	ssyncadd.s32 @!p0 s1  }
0x1c2: {  	[bflag:$0x3] =	sbarrier.arrive $0xFFFF  }
0x1c3: {  	_ =	shalt  }

// kernel: sparse-core-data-format-call.cloned.1.call-start
scs
called_computation_lowered:
.L_overlay_start_0:
0x0: {  	s2 =	sld [smem:$0x3FD9]  }
0x1: {  	s3 =	sld [smem:$0x3FFE];
	_ =	sdelay $0x1  }
0x2: {  	s1 =	srdreg.scid  }
0x3: {  	s0 =	sand.u32 $0x1, s1  }
0x4: {  	s18 =	sshll.u32 s0, $0xA;
	s2 =	sadd.s32 s3, s2  }
0x5: {  	s2 =	sadd.s32 s2, s18  }
0x6: {  	[smem:$0x3FC6] =	sst s2  }
0x7: {  	_ = 	snop  }
0x8: {  	s2 =	sld [smem:$0x3FC8];
	(tm) =	ssettm $0x1  }
0x9: {  	s19 =	sld [smem:$0x3FFB];
	_ =	sdelay $0x3  }
0xa: {  	_ =	strace s19  }
0xb: {  	s3 =	sld [smem:$0x3FFC];
	_ =	sdelay $0x3  }
0xc: {  	_ =	strace s3  }
0xd: {  	s3 =	sld [smem:$0x3FFD];
	_ =	sdelay $0x3  }
0xe: {  	_ =	strace s3  }
0xf: {  	_ =	strace $0x8FFFFFFF  }
0x10: {  	s20 =	sld [smem:$0x3FDB];
	_ =	sdelay $0x1  }
0x11: {  	s4 =	simm.s32 $_scs_section_size  }
0x12: {  	s5 =	simm.s32 $_size__tile_overlayer_lowered;
	s6 =	simm.s32 $_tile_overlayer_lowered  }
0x13: {  	s23 =	simm.s32 $0x1BFF;
	s22 =	sshll.u32 s6, $0x1;
	s3 =	sadd.s32 s4, s20  }
0x14: {  	s7 =	simm.s32 $0x0;
	s21 =	sshll.u32 s5, $0x1;
	s5 =	sadd.s32 s22, s3  }
0x15: {  	[timem:s7], [sflag:s23] =	dma.local [hbm:s5], s21  }
0x16: {  	_ =	swait.ge [sflag:s23], s21  }
0x17: {  	s4 =	ssub.s32 $0x0, s21;
	[sflag:s23] =	ssyncset.done $0x0  }
0x18: {  	[sflag:s23] =	ssyncadd.s32 s4;
	_ =	sdelay $0x1  }
0x19: {  	s24 =	simm.s32 $0x1B8B  }
0x1a: {  	_ =	swait.ge [sflag:s24], $0x1  }
0x1b: {  	[sflag:s24] =	ssyncset.done $0x0  }
0x1c: {  	s26 =	simm.s32 $0x1B8E;
	s25 =	sld [smem:$0x3FFE];
	[sflag:s24] =	ssyncadd.s32 $0xFFFFFFFF  }
0x1d: {  	s27 =	simm.s32 $execute0_lowered;
	[smem:$0x3FD2] =	sst s26  }
0x1e: {  	s5 =	sshll.u32 s27, $0x1;
	_ =	strace $0x80000046;
	[dreg:$0x1] =	wrdreg $0xFFFFFFFF  }
0x1f: {  	s28 =	simm.s32 $_size_execute0_lowered;
	s3 =	sadd.s32 s3, s5;
	[dreg:$0x0] =	wrdreg $0x0  }
0x20: {  	s5 =	sshll.u32 s28, $0x1;
	[dreg:$0x2] =	wrdreg s3  }
0x21: {  	[dreg:$0x3] =	wrdreg s5  }
0x22: {  	[dreg:$0x4] =	wrdreg $0xC0  }
0x23: {  	_ =	task [dreg:s7], $0x5FFFF  }
0x24: {  	[dreg:$0x1] =	wrdreg $0xFFFFFFFF  }
0x25: {  	[dreg:$0x0] =	wrdreg $0x60  }
0x26: {  	[dreg:$0x2] =	wrdreg s2  }
0x27: {  	[dreg:$0x3] =	wrdreg s25  }
0x28: {  	[dreg:$0x4] =	wrdreg $0x9  }
0x29: {  	_ =	task.clear_ibuf [dreg:s7], $0x5FFFF;
	_ =	strace $0x90000046  }
0x2a: {  	s29 =	simm.s32 $0x9;
	_ =	strace $0x80000048  }
0x2b: {  	_ =	swait.ge [sflag:s29], $0x1  }
0x2c: {  	[sflag:s29] =	ssyncadd.s32 $0xFFFFFFFF  }
0x2d: {  	_ =	strace $0x90000048  }
0x2e: {  	_ =	sfence  }
0x2f: {  	s30 =	sld [smem:$0x0];
	_ =	sdelay $0x2  }
0x30: {  	s31 =	sshll.u32 s1, $0xD;
	s1 =	sshrl.u32 s1, $0x2  }
0x31: {  	s3 =	sand.u32 $0x4000, s31;
	s1 =	sadd.s32 s1, s30  }
0x32: {  	s0 =	sor.u32 s3, s0;
	s1 =	sshll.u32 s1, $0x11  }
0x33: {  	s0 =	sor.u32 s1, s0  }
0x34: {  	s0 =	sadd.s32 $0x8F2B, s0  }
0x35: {  	[sflag:s0] =	ssyncadd.remote.s32 $0x1  }
0x36: {  	_ =	sfence.sel $0xFFFF  }
0x37: {  	[dreg:$0x0] =	wrdreg $0xFFFFFFFF;
	(pc) =	sbr.abs _section_cstart, $3  }
0x38: {  	[dreg:$0x1] =	wrdreg $0xFFFFFFFF  }
0x39: {  	_ =	task.clear_ibuf [dreg:s7], $0x2FFFF;
	_ =	strace $0x9FFFFFFF  }
0x3a: {  	(tm) =	ssettm $0x7FFFFFFF  }
0x3b: {  	_ =	shalt  }
tec
execute0_lowered:
.L_overlay_start_1:
0x0: {  	(tag) =	ssettag $0x1  }
0x1: {  	s0 =	srdreg.scid;
	s2 =	rddreg [dreg:$0x0]  }
0x2: {  	s5 =	rddreg [dreg:$0x1];
	s1 =	stileid.u32  }
0x3: {  	s4 =	simm.s32 $0x1;
	s6 =	simm.s32 $0x2;
	s15 =	simm.s32 $0x0  }
0x4: {  	p0 =	por $0x0, $0x0;
	s8 =	simm.s32 $0x80;
	s0 =	sshll.u32 s0, $0x4  }
0x5: {  	s14 =	simm.s32 $0x0;
	s9 =	simm.s32 $0x0;
	s3 =	sand.u32 $0x10, s0  }
.Ltmp0:
0x6: {  	s10 =	simm.s32 $0x0;
	s3 =	sor.u32 s1, s3;
	(pc) =	sbr.rel .LBB1_1-.Ltmp0, $4  }
0x7: {  	s0 =	rddreg [dreg:$0x2];
	_ =	strace $0x80000047;
	s3 =	sshll.u32 s3, $0x7  }
0x8: {  	s12 =	simm.s32 $0x0;
	[sflag:s4] =	ssyncpa.u1 $0x0;
	s7 =	ssub.s32 $0xF4200, s3  }
0x9: {  	s13 =	simm.s32 $0x0;
	[sflag:s6] =	ssyncpa.u1 $0x0;
	s6 =	sshrl.u32 s7, $0xC  }
0xa: {  	s5 =	sadd.s32 $0xA00, s5;
	s11 =	smov.u32 s3;
	s7 =	sadd.s32 $0x2, s6  }
.LBB1_5:
0xb: {  	p1 =	slt.u32 s13, $0x2  }
0xc: {  	s17 =	smov.u32 s15;
	p2 =	sgt.s32 @!p1 s15, $0xF41C0;
	s16 =	sshra.s32 @!p1 s15, $0x1F  }
0xd: {  	p3 =	sgt.s32 @!p1 s14, $0x60;
	s18 =	sshra.s32 @!p1 s14, $0x1F;
	p2 =	por !p2, p1  }
0xe: {  	s15 =	sand.u32 @!p1 s16, s15;
	p3 =	por !p3, p1;
	s16 =	smov.u32 s14  }
0xf: {  	s14 =	sand.u32 @!p1 s18, s14;
	s17 =	simm.s32 @p2 $0xF41C0;
	s16 =	simm.s32 @p3 $0x60  }
0x10: {  	s15 =	ssub.s32 @!p1 s17, s15;
	s14 =	ssub.s32 @!p1 s16, s14  }
0x11: {  	s18 =	smov.u32 s12;
	s16 =	sadd.s32 @!p1 $0xFFF0BE40, s15;
	s17 =	sadd.s32 @!p1 $0xFFFFFFA0, s14  }
0x12: {  	s15 =	ssub.s32 @!p1 $0xF4240, s15;
	p2 =	sgt.s32 @!p1 s16, $0x7F;
	p3 =	sgt.s32 @!p1 s17, $0x1F  }
0x13: {  	s14 =	ssub.s32 @!p1 $0x80, s14;
	p2 =	por !p2, p1;
	p3 =	por !p3, p1  }
0x14: {  	s16 =	sadd.s32 $0x1000, s11;
	s15 =	simm.s32 @!p2 $0x0;
	s14 =	simm.s32 @!p3 $0x0  }
0x15: {  	p2 =	sgt.s32 s16, $0xF423F;
	s14 =	smul.u32 @!p1 s14, s15;
	s15 =	sadd.s32 $0x20, s12  }
0x16: {  	s18 =	smov.u32 @p2 s15  }
0x17: {  	s16 =	smov.u32 @p2 s3;
	p2 =	sgt.s32 s18, $0x1F  }
0x18: {  	s18 =	simm.s32 @p2 $0x0;
	p2 =	sne.s32 s13, s7  }
.Ltmp1:
0x19: {  	p0 =	por !p0, !p0;
	s17 =	simm.s32 @!p1 $0x2;
	(pc) =	sbr.rel @!p2 .LBB1_6-.Ltmp1, $4  }
0x1a: {  	s15 =	smov.u32 s9;
	s9 =	smov.u32 s11;
	s14 =	sand.u32 @!p1 $0x3FFFFFFF, s14  }
0x1b: {  	s11 =	smov.u32 s16;
	_ =	swait.ge @!p1 [sflag:s17], s14;
	s19 =	ssub.s32 @!p1 $0x0, s14  }
0x1c: {  	s14 =	smov.u32 s10;
	s13 =	sadd.s32 $0x1, s13;
	[sflag:s17] =	ssyncset.done @!p1 $0x0  }
0x1d: {  	s10 =	smov.u32 s12;
	s12 =	smov.u32 s18;
	[sflag:s17] =	ssyncadd.s32 @!p1 s19  }
.LBB1_1:
0x1e: {  	p1 =	sgt.u32 s13, s6  }
0x1f: {  	s16 =	sshrl.u32 @!p1 s12, $0x3  }
0x20: {  	s17 =	sshll.u32 @!p1 s11, $0x3;
	s16 =	smul.u32 @!p1 $0x7A1400, s16  }
0x21: {  	s18 =	sshll.u32 @!p1 s12, $0x7;
	s17 =	sand.u32 @!p1 $0xFFFFFC00, s17  }
0x22: {  	s16 =	sadd.s32 @!p1 s16, s17;
	s17 =	sand.u32 @!p1 $0x380, s18  }
0x23: {  	s18 =	sand.u32 @!p1 $0x7F, s11;
	s16 =	sor.u32 @!p1 s17, s16  }
0x24: {  	s17 =	sor.u32 @!p1 s18, s16  }
0x25: {  	s18 =	smulhi.u32 @!p1 $0x218D6287, s17;
	_ =	sdelay $0x1  }
0x26: {  	s16 =	smulhi.u32 @!p1 $0x218D6287, s16;
	s18 =	sshrl.u32 @!p1 s18, $0x11  }
0x27: {  	s18 =	smul.u32 @!p1 $0xF4280, s18  }
0x28: {  	s19 =	sxor.u32 @!p1 $0xFFFFFFFF, s13;
	s16 =	sshrl.u32 @!p1 s16, $0x11  }
0x29: {  	s19 =	sshll.u32 @!p1 s19, $0xC;
	s16 =	sand.u32 @!p1 $0x1F, s16;
	s17 =	ssub.s32 @!p1 s17, s18  }
0x2a: {  	s16 =	smul.u32 @!p1 $0x1E850, s16;
	s18 =	sshrl.u32 @!p1 s17, $0x3;
	s17 =	sand.u32 @!p1 $0x7, s17  }
0x2b: {  	s19 =	sand.u32 @!p1 $0x1000, s19;
	s18 =	sadd.s32 @!p1 s2, s18;
	s17 =	sshll.u32 @!p1 s17, $0x12  }
0x2c: {  	s16 =	sadd.s32 @!p1 s16, s18;
	s17 =	sor.u32 @!p1 $0x400, s17;
	s18 =	simm.s32 @!p1 $0x7A1400  }
0x2d: {  	[tilespmem:s19], [sflag:$0x1] =	stream.strided.gather @!p1 [hbm4b:s16+s17], $0x1000, s18, s17, $0x38;
	[tilespmem:$0x4100] =	vst v63  }
0x2e: {  	p1 =	seq.s32 s13, $0x0  }
0x2f: {  	p2 =	sge.u32 @!p1 s13, s7  }
0x30: {  	p1 =	por p1, p2  }
.Ltmp2:
0x31: {  	_ = 	snop;
	(pc) =	sbr.rel @p1 .LBB1_5-.Ltmp2, $1  }
0x32: {  	_ =	sdelay $0x3  }
0x33: {  	s16 =	simm.s32 $0x1  }
0x34: {  	_ =	swait.ge [sflag:s4], $0x1000;
	s16 =	simm.s32 @!p0 $0x0  }
0x35: {  	[sflag:s4] =	ssyncset.done $0x0;
	s17 =	sshll.u32 s16, $0xC  }
0x36: {  	[sflag:s4] =	ssyncadd.s32 $0xFFFFF000;
	s17 =	sor.u32 $0x40, s17  }
0x37: {  	s16 =	smul.u32 $0x4200, s16;
	v0 =	vld [tilespmem:s17+$0x30]  }
0x38: {  	v1 =	vld [tilespmem:s17+$0xFFFFFFD0]  }
0x39: {  	s16 =	sshrl.u32 s16, $0x2;
	v5 =	vld [tilespmem:s17+$0xFFFFFFE0]  }
0x3a: {  	v6 =	vld [tilespmem:s17+$0xFFFFFFF0];
	s19 =	sor.u32 $0x2000, s16  }
0x3b: {  	s31 =	sand.u32 $0x1, s13;
	v4 =	vld [tilespmem:s17+$0x0];
	s18 =	sadd.s32 $0x0, s19  }
0x3c: {  	v3 =	vld [tilespmem:s17+$0x10];
	s16 =	smul.u32 $0x4200, s31;
	[tilespmem:s18+$0xE70 ss:$0x21] =	vst.msk $0xffff, v0  }
0x3d: {  	v2 =	vld [tilespmem:s17+$0x20];
	[tilespmem:s18+$0x210 ss:$0x21] =	vst.msk $0xffff, v1  }
0x3e: {  	s16 =	sshrl.u32 s16, $0x2;
	v1 =	vld [tilespmem:s17+$0xFFFFFFC0];
	[tilespmem:s18+$0x420 ss:$0x21] =	vst.msk $0xffff, v5;
	s17 =	sadd.s32 $0x80, s17  }
0x3f: {  	s20 =	simm.s32 $0x4;
	s21 =	simm.s32 $0x8;
	s16 =	sor.u32 $0x2000, s16;
	[tilespmem:s18+$0x630 ss:$0x21] =	vst.msk $0xffff, v6;
	v0 =	vld [tilespmem:s17+$0x30]  }
.LBB1_3:
0x40: {  	p1 =	sne.s32 s21, $0x7C;
	v5 =	vld [tilespmem:s17+$0xFFFFFFD0];
	[tilespmem:s18+$0x840 ss:$0x21] =	vst.msk $0xffff, v4  }
0x41: {  	v6 =	vld [tilespmem:s17+$0xFFFFFFE0];
	[tilespmem:s18+$0xA50 ss:$0x21] =	vst.msk $0xffff, v3  }
0x42: {  	s22 =	sshra.s32 s20, $0x2;
	s20 =	smov.u32 s21;
	v7 =	vld [tilespmem:s17+$0xFFFFFFF0];
	[tilespmem:s18+$0xC60 ss:$0x21] =	vst.msk $0xffff, v2  }
.Ltmp3:
0x43: {  	v4 =	vld [tilespmem:s17+$0x0];
	[tilespmem:s18+$0x0 ss:$0x21] =	vst.msk $0xffff, v1;
	s18 =	sadd.s32 s22, s19;
	(pc) =	sbr.rel @p1 .LBB1_3-.Ltmp3, $4  }
0x44: {  	v3 =	vld [tilespmem:s17+$0x10];
	[tilespmem:s18+$0xE70 ss:$0x21] =	vst.msk $0xffff, v0  }
0x45: {  	[tilespmem:s18+$0x210 ss:$0x21] =	vst.msk $0xffff, v5;
	v2 =	vld [tilespmem:s17+$0x20]  }
0x46: {  	v1 =	vld [tilespmem:s17+$0xFFFFFFC0];
	[tilespmem:s18+$0x420 ss:$0x21] =	vst.msk $0xffff, v6;
	s17 =	sadd.s32 $0x80, s17  }
0x47: {  	s21 =	sadd.s32 $0x4, s21;
	v0 =	vld [tilespmem:s17+$0x30];
	[tilespmem:s18+$0x630 ss:$0x21] =	vst.msk $0xffff, v7  }
0x48: {  	s21 =	sshll.u32 s9, $0x7;
	s22 =	sshll.u32 s10, $0x3;
	s20 =	sshra.s32 s20, $0x2  }
0x49: {  	p1 =	sgt.s32 s9, $0xF41C0;
	s30 =	sshra.s32 s9, $0x1F;
	s25 =	sshra.s32 s10, $0x1F  }
0x4a: {  	v5 =	vld [tilespmem:s17+$0xFFFFFFD0];
	s28 =	sshrl.u32 s10, $0x3;
	s23 =	sand.u32 $0xFFFFFC00, s21;
	s22 =	sand.u32 $0xFFFFFC00, s22  }
0x4b: {  	[tilespmem:s18+$0x840 ss:$0x21] =	vst.msk $0xffff, v4;
	v58 =	vld [tilespmem:s17+$0xFFFFFFE0];
	s21 =	sand.u32 $0x380, s21;
	s19 =	sadd.s32 s20, s19;
	s22 =	sadd.s32 s22, s23  }
0x4c: {  	v59 =	vld [tilespmem:s17+$0xFFFFFFF0];
	[tilespmem:s18+$0xA50 ss:$0x21] =	vst.msk $0xffff, v3;
	s29 =	sor.u32 s21, s22;
	s21 =	smov.u32 s9;
	s22 =	sand.u32 s30, s9  }
0x4d: {  	v60 =	vld [tilespmem:s17+$0x0];
	[tilespmem:s18+$0xC60 ss:$0x21] =	vst.msk $0xffff, v2;
	s30 =	sand.u32 $0x7, s10;
	s20 =	sshrl.u32 s29, $0x7;
	s21 =	simm.s32 @!p1 $0xF41C0  }
0x4e: {  	v61 =	vld [tilespmem:s17+$0x10];
	[tilespmem:s18+$0x0 ss:$0x21] =	vst.msk $0xffff, v1;
	p1 =	sgt.s32 s10, $0x60;
	s24 =	ssub.s32 s21, s22;
	s21 =	smov.u32 s10  }
0x4f: {  	v62 =	vld [tilespmem:s17+$0x20];
	[tilespmem:s19+$0xE70 ss:$0x21] =	vst.msk $0xffff, v0;
	s31 =	smulhi.u32 $0x218DEF5, s20;
	s22 =	sand.u32 s25, s10;
	s21 =	simm.s32 @!p1 $0x60  }
0x50: {  	v63 =	vld [tilespmem:s17+$0xFFFFFFC0];
	[tilespmem:s19+$0x210 ss:$0x21] =	vst.msk $0xffff, v5;
	s26 =	sadd.s32 $0xFFF0BE40, s24;
	s17 =	ssub.s32 $0xF4240, s24;
	s21 =	ssub.s32 s21, s22  }
0x51: {  	[tilespmem:s19+$0x420 ss:$0x21] =	vst.msk $0xffff, v58;
	s23 =	sshrl.u32 s31, $0xD;
	p1 =	sgt.s32 s26, $0x7F;
	s27 =	sadd.s32 $0xFFFFFFA0, s21  }
0x52: {  	[tilespmem:s19+$0x630 ss:$0x21] =	vst.msk $0xffff, v59;
	s23 =	smul.u32 $0xF4240, s23;
	s18 =	ssub.s32 $0x80, s21;
	p2 =	sgt.s32 s27, $0x1F  }
.Ltmp4:
0x53: {  	[tilespmem:s19+$0x840 ss:$0x21] =	vst.msk $0xffff, v60;
	s17 =	simm.s32 @p1 $0x0;
	s18 =	simm.s32 @p2 $0x0;
	(pc) =	sbr.rel .LBB1_5-.Ltmp4, $4  }
0x54: {  	s29 =	sand.u32 $0xF, s28;
	[tilespmem:s19+$0xA50 ss:$0x21] =	vst.msk $0xffff, v61;
	s20 =	ssub.s32 s20, s23;
	s17 =	smul.u32 s18, s17  }
0x55: {  	[tilespmem:s19+$0xC60 ss:$0x21] =	vst.msk $0xffff, v62;
	s21 =	sshll.u32 s30, $0x12;
	s20 =	sshll.u32 s20, $0x4;
	s18 =	sadd.s32 s5, s29  }
0x56: {  	[tilespmem:s19+$0x0 ss:$0x21] =	vst.msk $0xffff, v63;
	s31 =	sor.u32 $0x20, s21;
	s18 =	sadd.s32 s20, s18;
	s17 =	sand.u32 $0x3FFFFFFF, s17  }
0x57: {  	[hbm4b:s18+s31] =	stream.strided.scatter [tilespmem:s16], [sflag:$0x2], s17, s8, s31, $0x10;
	[tilespmem:$0x4100] =	vst v63  }
.LBB1_6:
0x58: {  	_ =	sfence.sel $0x180000  }
0x59: {  	s2 =	simm.s32 $0x1;
	[bflag:$0x0] =	sbarrier.arrive $0xFFFF  }
0x5a: {  	s31 =	simm.s32 $0x2;
	[sflag:s2] =	ssyncpa.u1 $0x1  }
0x5b: {  	[sflag:s31] =	ssyncpa.u1 $0x1  }
0x5c: {  	p0 =	sne.s32 s1, $0x0;
	_ =	strace $0x90000047  }
0x5d: {  	s0 =	sadd.s32 @!p0 $0x100000, s0;
	[bflag:$0x2] =	sbarrier.arrive $0xFFFF  }
0x5e: {  	[sflag:s0] =	ssyncadd.tile.s32 @!p0 $0x1;
	_ =	shalt  }
.Lfunc_end1:
_tile_overlayer_lowered:
.L_overlay_start_2:
0x5f: {  	(tag) =	ssettag $0x2  }
0x60: {  	s0 =	rddreg [dreg:$0x0];
	s2 =	stileid.u32  }
0x61: {  	s1 =	rddreg [dreg:$0x1];
	p0 =	sne.s32 s2, $0x0  }
0x62: {  	s3 =	rddreg [dreg:$0x2];
	[bflag:$0x3] =	sbarrier.arrive $0xFFFF;
	s2 =	simm.s32 @!p0 $0x1C01  }
0x63: {  	[timem:s3], [sflag:s2] =	dma.local @!p0 [hbm:s0], s1  }
0x64: {  	s0 =	simm.s32 @!p0 $0x1  }
0x65: {  	_ =	swait.ge @!p0 [sflag:s0], s1  }
0x66: {  	s1 =	ssub.s32 @!p0 $0x0, s1;
	[sflag:s0] =	ssyncset.done @!p0 $0x0  }
0x67: {  	[sflag:s0] =	ssyncadd.s32 @!p0 s1  }
0x68: {  	[bflag:$0x3] =	sbarrier.arrive $0xFFFF  }
0x69: {  	_ =	shalt  }

</sc_bundles>
